<compile_context>
chip_gen: v7x
topology: tpu7x:2x2x1
jax: 0.10.2.dev20260603
libtpu: 0.0.44.dev20260713+nightly
codegen_flags: <defaults>
</compile_context>

<pallas_src>
import functools

import jax
import jax.numpy as jnp
from jax import lax
from jax.experimental import pallas as pl
from jax.experimental.pallas import tpu as pltpu
from jax.experimental.pallas import tpu_sc as plsc

D = 32
NC = 2
NS = 16
NW = NC * NS
CHUNK = 80
NBUF = 4


def _emb_body(idx_hbm, table_hbm, out_hbm, idx_v, *bufs_and_sems):
    bufs = bufs_and_sems[:NBUF]
    gsems = bufs_and_sems[NBUF:2 * NBUF]
    ssems = bufs_and_sems[2 * NBUF:3 * NBUF]
    n_rows = out_hbm.shape[0]
    n_cols = out_hbm.shape[1]
    b_per_w = (n_rows * n_cols) // NW
    n_chunk = b_per_w // CHUNK
    rows_per_chunk = CHUNK // n_cols

    wid = lax.axis_index("s") * NC + lax.axis_index("c")
    base = wid * b_per_w
    pltpu.sync_copy(idx_hbm.at[pl.ds(base, b_per_w)], idx_v)
    row_base = base // n_cols

    def store(j, buf, sem):
        r0 = row_base + j * rows_per_chunk
        for r in range(rows_per_chunk):
            pltpu.async_copy(buf.at[pl.ds(r * n_cols, n_cols)],
                             out_hbm.at[r0 + r], sem)

    def wait_store(j, buf, sem):
        r0 = row_base + j * rows_per_chunk
        for r in range(rows_per_chunk):
            pltpu.make_async_copy(buf.at[pl.ds(r * n_cols, n_cols)],
                                  out_hbm.at[r0 + r], sem).wait()

    for b in range(NBUF):
        pltpu.async_copy(table_hbm.at[idx_v.at[pl.ds(b * CHUNK, CHUNK)]],
                         bufs[b], gsems[b])

    def group(g, carry):
        for b in range(NBUF):
            j = g * NBUF + b
            pltpu.make_async_copy(table_hbm.at[idx_v.at[pl.ds(0, CHUNK)]],
                                  bufs[b], gsems[b]).wait()
            store(j, bufs[b], ssems[b])

            @pl.when(j + NBUF < n_chunk)
            def _():
                wait_store(j, bufs[b], ssems[b])
                pltpu.async_copy(
                    table_hbm.at[idx_v.at[pl.ds((j + NBUF) * CHUNK, CHUNK)]],
                    bufs[b], gsems[b])
        return carry

    lax.fori_loop(0, n_chunk // NBUF, group, 0)

    for b in range(NBUF):
        wait_store(n_chunk - NBUF + b, bufs[b], ssems[b])


def kernel(ids, embeddings):
    n0, n1 = ids.shape
    B = n0 * n1
    b_per_w = B // NW
    idx = ids.reshape(B).astype(jnp.int32)
    mesh = plsc.VectorSubcoreMesh(core_axis_name="c", subcore_axis_name="s")
    out = pl.kernel(
        _emb_body,
        out_type=jax.ShapeDtypeStruct((n0, n1, D), jnp.float32),
        mesh=mesh,
        scratch_types=(
            [pltpu.VMEM((b_per_w,), jnp.int32)]
            + [pltpu.VMEM((CHUNK, D), jnp.float32)] * NBUF
            + [pltpu.SemaphoreType.DMA] * (2 * NBUF)
        ),
        compiler_params=pltpu.CompilerParams(use_tc_tiling_on_sc=False),
    )(idx, embeddings)
    return out

# --- scband reference (transcript-rebuilt; emitter-appended) ---
"""Pipeline reference for scband-fixed-embed-16587163697861 (READ-ONLY COPY).

The authoritative reference and input builder live on the scoring server;
editing this copy changes nothing except your own understanding.
"""

import jax, jax.numpy as jnp
import numpy as np

VOCAB_SIZE = 1000000
EMBED_DIM = 32
EMB_INIT_SCALE = 0.02

def setup_inputs(seed: int = 0) -> dict:
    key = jax.random.key(seed)
    k_ids, k_emb = jax.random.split(key)
    ids = jax.random.randint(k_ids, (16384, 20), 0, VOCAB_SIZE, dtype=jnp.int64 if jax.config.jax_enable_x64 else jnp.int32)
    # TruncatedNormal(stddev=emb_init_scale) init for the embedding table
    embeddings = (jax.random.truncated_normal(k_emb, -2.0, 2.0, (VOCAB_SIZE, EMBED_DIM), dtype=jnp.float32) * EMB_INIT_SCALE)
    return {"ids": ids, "embeddings": embeddings}

def reference(ids, embeddings):
    # Faithful translation of FixedEmbed.__call__
    return jnp.take(embeddings, ids, axis=0)

if __name__ == "__main__":
    import jax
    _d = setup_inputs()
    print(jax.jit(kernel)(*tuple(_d.values())))

</pallas_src>

<mosaic_0001>
#map = affine_map<(d0, d1) -> (0)>
#map1 = affine_map<(d0, d1) -> (0, 0)>
#map2 = affine_map<(d0, d1) -> (0, 0, 0)>
module attributes {stable_mosaic.version = 14 : i64} {
  func.func @_emb_body(%arg0: i32, %arg1: i32, %arg2: memref<327680xi32, #tpu.memory_space<hbm>>, %arg3: memref<1000000x32xf32, #tpu.memory_space<hbm>>, %arg4: memref<16384x20x32xf32, #tpu.memory_space<hbm>>, %arg5: memref<10240xi32, #tpu.memory_space<vmem>>, %arg6: memref<80x32xf32, #tpu.memory_space<vmem>>, %arg7: memref<80x32xf32, #tpu.memory_space<vmem>>, %arg8: memref<80x32xf32, #tpu.memory_space<vmem>>, %arg9: memref<80x32xf32, #tpu.memory_space<vmem>>, %arg10: memref<!tpu.dma_semaphore, #tpu.memory_space<semaphore_mem>>, %arg11: memref<!tpu.dma_semaphore, #tpu.memory_space<semaphore_mem>>, %arg12: memref<!tpu.dma_semaphore, #tpu.memory_space<semaphore_mem>>, %arg13: memref<!tpu.dma_semaphore, #tpu.memory_space<semaphore_mem>>, %arg14: memref<!tpu.dma_semaphore, #tpu.memory_space<semaphore_mem>>, %arg15: memref<!tpu.dma_semaphore, #tpu.memory_space<semaphore_mem>>, %arg16: memref<!tpu.dma_semaphore, #tpu.memory_space<semaphore_mem>>, %arg17: memref<!tpu.dma_semaphore, #tpu.memory_space<semaphore_mem>>) attributes {dimension_semantics = [#tpu.dimension_semantics<core_parallel>, #tpu.dimension_semantics<subcore_parallel>], iteration_bounds = array<i64: 2, 16>, scalar_prefetch = 0 : i64, scratch_operands = 13 : i64, tpu.core_type = #tpu.core_type<sc_vector_subcore>, window_params = [{transform_indices = #map}, {transform_indices = #map1}, {transform_indices = #map2}]} {
    %mul3A = arith.constant 2 : i32
    %mul3A_0 = arith.muli %arg1, %mul3A : i32
    %add3A = arith.addi %mul3A_0, %arg0 : i32
    %mul3A_1 = arith.constant 10240 : i32
    %mul3A_2 = arith.muli %add3A, %mul3A_1 : i32
    "tpu.region"() ({
      %run_scoped3A = tpu.sem_alloc : memref<!tpu.dma_semaphore, #tpu.memory_space<semaphore_mem>>
      %dma_start3A_306 = tpu.memref_slice %arg2[%mul3A_2] : memref<327680xi32, #tpu.memory_space<hbm>> -> memref<10240xi32, #tpu.memory_space<hbm>>
      %dma_start3A_307 = tpu.memref_slice %arg2[%mul3A_2] : memref<327680xi32, #tpu.memory_space<hbm>> -> memref<10240xi32, #tpu.memory_space<hbm>>
      tpu.enqueue_dma source(%dma_start3A_307 : memref<10240xi32, #tpu.memory_space<hbm>>) target(%arg5 : memref<10240xi32, #tpu.memory_space<vmem>>) target_semaphore(%run_scoped3A : memref<!tpu.dma_semaphore, #tpu.memory_space<semaphore_mem>>)
      %dma_wait3A_308 = tpu.memref_slice %arg2[%mul3A_2] : memref<327680xi32, #tpu.memory_space<hbm>> -> memref<10240xi32, #tpu.memory_space<hbm>>
      %dma_wait3A_309 = tpu.memref_slice %arg2[%mul3A_2] : memref<327680xi32, #tpu.memory_space<hbm>> -> memref<10240xi32, #tpu.memory_space<hbm>>
      tpu.wait_dma2 semaphore(%run_scoped3A : memref<!tpu.dma_semaphore, #tpu.memory_space<semaphore_mem>>) src(%dma_wait3A_309 : memref<10240xi32, #tpu.memory_space<hbm>>) dst(%arg5 : memref<10240xi32, #tpu.memory_space<vmem>>)
      tpu.yield
    }) : () -> ()
    %jit3A = arith.constant 20 : i32
    %div3A = arith.divsi %mul3A_2, %jit3A : i32
    %sign3A = arith.constant 0 : i32
    %sign3A_3 = arith.cmpi sgt, %mul3A_2, %sign3A : i32
    %sign3A_4 = arith.extui %sign3A_3 : i1 to i32
    %sign3A_5 = arith.constant 0 : i32
    %sign3A_6 = arith.cmpi slt, %mul3A_2, %sign3A_5 : i32
    %sign3A_7 = arith.extui %sign3A_6 : i1 to i32
    %sign3A_8 = arith.subi %sign3A_4, %sign3A_7 : i32
    %sign3A_9 = arith.constant 0 : i32
    %sign3A_10 = arith.cmpi sgt, %jit3A, %sign3A_9 : i32
    %sign3A_11 = arith.extui %sign3A_10 : i1 to i32
    %sign3A_12 = arith.constant 0 : i32
    %sign3A_13 = arith.cmpi slt, %jit3A, %sign3A_12 : i32
    %sign3A_14 = arith.extui %sign3A_13 : i1 to i32
    %sign3A_15 = arith.subi %sign3A_11, %sign3A_14 : i32
    %ne3A = arith.cmpi ne, %sign3A_8, %sign3A_15 : i32
    %rem3A = arith.remsi %mul3A_2, %jit3A : i32
    %ne3A_16 = arith.constant 0 : i32
    %ne3A_17 = arith.cmpi ne, %rem3A, %ne3A_16 : i32
    %and3A = arith.andi %ne3A, %ne3A_17 : i1
    %sub3A = arith.constant 1 : i32
    %sub3A_18 = arith.subi %div3A, %sub3A : i32
    %select_n3A = arith.select %and3A, %sub3A_18, %div3A : i32
    %dma_start3A = arith.constant 0 : i32
    %dma_start3A_19 = tpu.memref_slice %arg5[%dma_start3A] : memref<10240xi32, #tpu.memory_space<vmem>> -> memref<80xi32, #tpu.memory_space<vmem>>
    %dma_start3A_20 = arith.constant 0 : i32
    %dma_start3A_21 = arith.constant 0 : i32
    %dma_start3A_22 = tpu.memref_slice %arg3[%dma_start3A_20, %dma_start3A_21] : memref<1000000x32xf32, #tpu.memory_space<hbm>> -> memref<1000000x32xf32, #tpu.memory_space<hbm>>
    tpu.enqueue_indirect_dma source(%dma_start3A_22 : memref<1000000x32xf32, #tpu.memory_space<hbm>>) target(%arg6 : memref<80x32xf32, #tpu.memory_space<vmem>>) offsets(%dma_start3A_19 : memref<80xi32, #tpu.memory_space<vmem>>) semaphore(%arg10 : memref<!tpu.dma_semaphore, #tpu.memory_space<semaphore_mem>>)
    %dma_start3A_23 = arith.constant 80 : i32
    %dma_start3A_24 = tpu.memref_slice %arg5[%dma_start3A_23] : memref<10240xi32, #tpu.memory_space<vmem>> -> memref<80xi32, #tpu.memory_space<vmem>>
    %dma_start3A_25 = arith.constant 0 : i32
    %dma_start3A_26 = arith.constant 0 : i32
    %dma_start3A_27 = tpu.memref_slice %arg3[%dma_start3A_25, %dma_start3A_26] : memref<1000000x32xf32, #tpu.memory_space<hbm>> -> memref<1000000x32xf32, #tpu.memory_space<hbm>>
    tpu.enqueue_indirect_dma source(%dma_start3A_27 : memref<1000000x32xf32, #tpu.memory_space<hbm>>) target(%arg7 : memref<80x32xf32, #tpu.memory_space<vmem>>) offsets(%dma_start3A_24 : memref<80xi32, #tpu.memory_space<vmem>>) semaphore(%arg11 : memref<!tpu.dma_semaphore, #tpu.memory_space<semaphore_mem>>)
    %dma_start3A_28 = arith.constant 160 : i32
    %dma_start3A_29 = tpu.memref_slice %arg5[%dma_start3A_28] : memref<10240xi32, #tpu.memory_space<vmem>> -> memref<80xi32, #tpu.memory_space<vmem>>
    %dma_start3A_30 = arith.constant 0 : i32
    %dma_start3A_31 = arith.constant 0 : i32
    %dma_start3A_32 = tpu.memref_slice %arg3[%dma_start3A_30, %dma_start3A_31] : memref<1000000x32xf32, #tpu.memory_space<hbm>> -> memref<1000000x32xf32, #tpu.memory_space<hbm>>
    tpu.enqueue_indirect_dma source(%dma_start3A_32 : memref<1000000x32xf32, #tpu.memory_space<hbm>>) target(%arg8 : memref<80x32xf32, #tpu.memory_space<vmem>>) offsets(%dma_start3A_29 : memref<80xi32, #tpu.memory_space<vmem>>) semaphore(%arg12 : memref<!tpu.dma_semaphore, #tpu.memory_space<semaphore_mem>>)
    %dma_start3A_33 = arith.constant 240 : i32
    %dma_start3A_34 = tpu.memref_slice %arg5[%dma_start3A_33] : memref<10240xi32, #tpu.memory_space<vmem>> -> memref<80xi32, #tpu.memory_space<vmem>>
    %dma_start3A_35 = arith.constant 0 : i32
    %dma_start3A_36 = arith.constant 0 : i32
    %dma_start3A_37 = tpu.memref_slice %arg3[%dma_start3A_35, %dma_start3A_36] : memref<1000000x32xf32, #tpu.memory_space<hbm>> -> memref<1000000x32xf32, #tpu.memory_space<hbm>>
    tpu.enqueue_indirect_dma source(%dma_start3A_37 : memref<1000000x32xf32, #tpu.memory_space<hbm>>) target(%arg9 : memref<80x32xf32, #tpu.memory_space<vmem>>) offsets(%dma_start3A_34 : memref<80xi32, #tpu.memory_space<vmem>>) semaphore(%arg13 : memref<!tpu.dma_semaphore, #tpu.memory_space<semaphore_mem>>)
    %scan3A = arith.constant 0 : i32
    %scan3A_38 = arith.constant 0 : i32
    %scan3A_39 = arith.constant 32 : i32
    %scan3A_40 = arith.addi %scan3A_38, %scan3A_39 : i32
    %scan3A_41 = arith.constant 1 : i32
    scf.for %scan3A_306 = %scan3A_38 to %scan3A_40 step %scan3A_41  : i32 {
      %mul3A_307 = arith.constant 4 : i32
      %mul3A_308 = arith.muli %scan3A_306, %mul3A_307 : i32
      %add3A_309 = arith.constant 0 : i32
      %add3A_310 = arith.addi %mul3A_308, %add3A_309 : i32
      %dma_wait3A_311 = arith.constant 0 : i32
      %dma_wait3A_312 = tpu.memref_slice %arg5[%dma_wait3A_311] : memref<10240xi32, #tpu.memory_space<vmem>> -> memref<80xi32, #tpu.memory_space<vmem>>
      %dma_wait3A_313 = arith.constant 0 : i32
      %dma_wait3A_314 = arith.constant 0 : i32
      %dma_wait3A_315 = tpu.memref_slice %arg3[%dma_wait3A_313, %dma_wait3A_314] : memref<1000000x32xf32, #tpu.memory_space<hbm>> -> memref<1000000x32xf32, #tpu.memory_space<hbm>>
      tpu.wait_indirect_dma semaphore(%arg10 : memref<!tpu.dma_semaphore, #tpu.memory_space<semaphore_mem>>) src(%dma_wait3A_315 : memref<1000000x32xf32, #tpu.memory_space<hbm>>) dst(%arg6 : memref<80x32xf32, #tpu.memory_space<vmem>>)
      %mul3A_316 = arith.constant 4 : i32
      %mul3A_317 = arith.muli %add3A_310, %mul3A_316 : i32
      %add3A_318 = arith.addi %select_n3A, %mul3A_317 : i32
      %add3A_319 = arith.constant 0 : i32
      %add3A_320 = arith.addi %add3A_318, %add3A_319 : i32
      %dma_start3A_321 = arith.constant 0 : i32
      %dma_start3A_322 = arith.constant 0 : i32
      %dma_start3A_323 = tpu.memref_slice %arg6[%dma_start3A_321, %dma_start3A_322] : memref<80x32xf32, #tpu.memory_space<vmem>> -> memref<20x32xf32, #tpu.memory_space<vmem>>
      %dma_start3A_324 = arith.constant 0 : i32
      %dma_start3A_325 = arith.constant 0 : i32
      %dma_start3A_326 = tpu.memref_slice %arg4[%add3A_320, %dma_start3A_324, %dma_start3A_325] : memref<16384x20x32xf32, #tpu.memory_space<hbm>> -> memref<1x20x32xf32, #tpu.memory_space<hbm>>
      %dma_start3A_327 = tpu.memref_squeeze %dma_start3A_326 : memref<1x20x32xf32, #tpu.memory_space<hbm>> -> memref<20x32xf32, #tpu.memory_space<hbm>>
      %dma_start3A_328 = arith.constant 0 : i32
      %dma_start3A_329 = arith.constant 0 : i32
      %dma_start3A_330 = tpu.memref_slice %arg4[%add3A_320, %dma_start3A_328, %dma_start3A_329] : memref<16384x20x32xf32, #tpu.memory_space<hbm>> -> memref<1x20x32xf32, #tpu.memory_space<hbm>>
      %dma_start3A_331 = tpu.memref_squeeze %dma_start3A_330 : memref<1x20x32xf32, #tpu.memory_space<hbm>> -> memref<20x32xf32, #tpu.memory_space<hbm>>
      %dma_start3A_332 = arith.constant 0 : i32
      %dma_start3A_333 = arith.constant 0 : i32
      %dma_start3A_334 = tpu.memref_slice %arg6[%dma_start3A_332, %dma_start3A_333] : memref<80x32xf32, #tpu.memory_space<vmem>> -> memref<20x32xf32, #tpu.memory_space<vmem>>
      tpu.enqueue_dma source(%dma_start3A_334 : memref<20x32xf32, #tpu.memory_space<vmem>>) target(%dma_start3A_331 : memref<20x32xf32, #tpu.memory_space<hbm>>) target_semaphore(%arg14 : memref<!tpu.dma_semaphore, #tpu.memory_space<semaphore_mem>>)
      %add3A_335 = arith.constant 1 : i32
      %add3A_336 = arith.addi %add3A_318, %add3A_335 : i32
      %dma_start3A_337 = arith.constant 20 : i32
      %dma_start3A_338 = arith.constant 0 : i32
      %dma_start3A_339 = tpu.memref_slice %arg6[%dma_start3A_337, %dma_start3A_338] : memref<80x32xf32, #tpu.memory_space<vmem>> -> memref<20x32xf32, #tpu.memory_space<vmem>>
      %dma_start3A_340 = arith.constant 0 : i32
      %dma_start3A_341 = arith.constant 0 : i32
      %dma_start3A_342 = tpu.memref_slice %arg4[%add3A_336, %dma_start3A_340, %dma_start3A_341] : memref<16384x20x32xf32, #tpu.memory_space<hbm>> -> memref<1x20x32xf32, #tpu.memory_space<hbm>>
      %dma_start3A_343 = tpu.memref_squeeze %dma_start3A_342 : memref<1x20x32xf32, #tpu.memory_space<hbm>> -> memref<20x32xf32, #tpu.memory_space<hbm>>
      %dma_start3A_344 = arith.constant 0 : i32
      %dma_start3A_345 = arith.constant 0 : i32
      %dma_start3A_346 = tpu.memref_slice %arg4[%add3A_336, %dma_start3A_344, %dma_start3A_345] : memref<16384x20x32xf32, #tpu.memory_space<hbm>> -> memref<1x20x32xf32, #tpu.memory_space<hbm>>
      %dma_start3A_347 = tpu.memref_squeeze %dma_start3A_346 : memref<1x20x32xf32, #tpu.memory_space<hbm>> -> memref<20x32xf32, #tpu.memory_space<hbm>>
      %dma_start3A_348 = arith.constant 20 : i32
      %dma_start3A_349 = arith.constant 0 : i32
      %dma_start3A_350 = tpu.memref_slice %arg6[%dma_start3A_348, %dma_start3A_349] : memref<80x32xf32, #tpu.memory_space<vmem>> -> memref<20x32xf32, #tpu.memory_space<vmem>>
      tpu.enqueue_dma source(%dma_start3A_350 : memref<20x32xf32, #tpu.memory_space<vmem>>) target(%dma_start3A_347 : memref<20x32xf32, #tpu.memory_space<hbm>>) target_semaphore(%arg14 : memref<!tpu.dma_semaphore, #tpu.memory_space<semaphore_mem>>)
      %add3A_351 = arith.constant 2 : i32
      %add3A_352 = arith.addi %add3A_318, %add3A_351 : i32
      %dma_start3A_353 = arith.constant 40 : i32
      %dma_start3A_354 = arith.constant 0 : i32
      %dma_start3A_355 = tpu.memref_slice %arg6[%dma_start3A_353, %dma_start3A_354] : memref<80x32xf32, #tpu.memory_space<vmem>> -> memref<20x32xf32, #tpu.memory_space<vmem>>
      %dma_start3A_356 = arith.constant 0 : i32
      %dma_start3A_357 = arith.constant 0 : i32
      %dma_start3A_358 = tpu.memref_slice %arg4[%add3A_352, %dma_start3A_356, %dma_start3A_357] : memref<16384x20x32xf32, #tpu.memory_space<hbm>> -> memref<1x20x32xf32, #tpu.memory_space<hbm>>
      %dma_start3A_359 = tpu.memref_squeeze %dma_start3A_358 : memref<1x20x32xf32, #tpu.memory_space<hbm>> -> memref<20x32xf32, #tpu.memory_space<hbm>>
      %dma_start3A_360 = arith.constant 0 : i32
      %dma_start3A_361 = arith.constant 0 : i32
      %dma_start3A_362 = tpu.memref_slice %arg4[%add3A_352, %dma_start3A_360, %dma_start3A_361] : memref<16384x20x32xf32, #tpu.memory_space<hbm>> -> memref<1x20x32xf32, #tpu.memory_space<hbm>>
      %dma_start3A_363 = tpu.memref_squeeze %dma_start3A_362 : memref<1x20x32xf32, #tpu.memory_space<hbm>> -> memref<20x32xf32, #tpu.memory_space<hbm>>
      %dma_start3A_364 = arith.constant 40 : i32
      %dma_start3A_365 = arith.constant 0 : i32
      %dma_start3A_366 = tpu.memref_slice %arg6[%dma_start3A_364, %dma_start3A_365] : memref<80x32xf32, #tpu.memory_space<vmem>> -> memref<20x32xf32, #tpu.memory_space<vmem>>
      tpu.enqueue_dma source(%dma_start3A_366 : memref<20x32xf32, #tpu.memory_space<vmem>>) target(%dma_start3A_363 : memref<20x32xf32, #tpu.memory_space<hbm>>) target_semaphore(%arg14 : memref<!tpu.dma_semaphore, #tpu.memory_space<semaphore_mem>>)
      %add3A_367 = arith.constant 3 : i32
      %add3A_368 = arith.addi %add3A_318, %add3A_367 : i32
      %dma_start3A_369 = arith.constant 60 : i32
      %dma_start3A_370 = arith.constant 0 : i32
      %dma_start3A_371 = tpu.memref_slice %arg6[%dma_start3A_369, %dma_start3A_370] : memref<80x32xf32, #tpu.memory_space<vmem>> -> memref<20x32xf32, #tpu.memory_space<vmem>>
      %dma_start3A_372 = arith.constant 0 : i32
      %dma_start3A_373 = arith.constant 0 : i32
      %dma_start3A_374 = tpu.memref_slice %arg4[%add3A_368, %dma_start3A_372, %dma_start3A_373] : memref<16384x20x32xf32, #tpu.memory_space<hbm>> -> memref<1x20x32xf32, #tpu.memory_space<hbm>>
      %dma_start3A_375 = tpu.memref_squeeze %dma_start3A_374 : memref<1x20x32xf32, #tpu.memory_space<hbm>> -> memref<20x32xf32, #tpu.memory_space<hbm>>
      %dma_start3A_376 = arith.constant 0 : i32
      %dma_start3A_377 = arith.constant 0 : i32
      %dma_start3A_378 = tpu.memref_slice %arg4[%add3A_368, %dma_start3A_376, %dma_start3A_377] : memref<16384x20x32xf32, #tpu.memory_space<hbm>> -> memref<1x20x32xf32, #tpu.memory_space<hbm>>
      %dma_start3A_379 = tpu.memref_squeeze %dma_start3A_378 : memref<1x20x32xf32, #tpu.memory_space<hbm>> -> memref<20x32xf32, #tpu.memory_space<hbm>>
      %dma_start3A_380 = arith.constant 60 : i32
      %dma_start3A_381 = arith.constant 0 : i32
      %dma_start3A_382 = tpu.memref_slice %arg6[%dma_start3A_380, %dma_start3A_381] : memref<80x32xf32, #tpu.memory_space<vmem>> -> memref<20x32xf32, #tpu.memory_space<vmem>>
      tpu.enqueue_dma source(%dma_start3A_382 : memref<20x32xf32, #tpu.memory_space<vmem>>) target(%dma_start3A_379 : memref<20x32xf32, #tpu.memory_space<hbm>>) target_semaphore(%arg14 : memref<!tpu.dma_semaphore, #tpu.memory_space<semaphore_mem>>)
      %add3A_383 = arith.constant 4 : i32
      %add3A_384 = arith.addi %add3A_310, %add3A_383 : i32
      %lt3A = arith.constant 128 : i32
      %lt3A_385 = arith.cmpi slt, %add3A_384, %lt3A : i32
      %convert_element_type3A = arith.extui %lt3A_385 : i1 to i32
      %cond3A = arith.constant 0 : i32
      %cond3A_386 = arith.cmpi ne, %convert_element_type3A, %cond3A : i32
      scf.if %cond3A_386 {
        %mul3A_636 = arith.constant 4 : i32
        %mul3A_637 = arith.muli %add3A_310, %mul3A_636 : i32
        %add3A_638 = arith.addi %select_n3A, %mul3A_637 : i32
        %add3A_639 = arith.constant 0 : i32
        %add3A_640 = arith.addi %add3A_638, %add3A_639 : i32
        %dma_wait3A_641 = arith.constant 0 : i32
        %dma_wait3A_642 = arith.constant 0 : i32
        %dma_wait3A_643 = tpu.memref_slice %arg6[%dma_wait3A_641, %dma_wait3A_642] : memref<80x32xf32, #tpu.memory_space<vmem>> -> memref<20x32xf32, #tpu.memory_space<vmem>>
        %dma_wait3A_644 = arith.constant 0 : i32
        %dma_wait3A_645 = arith.constant 0 : i32
        %dma_wait3A_646 = tpu.memref_slice %arg4[%add3A_640, %dma_wait3A_644, %dma_wait3A_645] : memref<16384x20x32xf32, #tpu.memory_space<hbm>> -> memref<1x20x32xf32, #tpu.memory_space<hbm>>
        %dma_wait3A_647 = tpu.memref_squeeze %dma_wait3A_646 : memref<1x20x32xf32, #tpu.memory_space<hbm>> -> memref<20x32xf32, #tpu.memory_space<hbm>>
        %dma_wait3A_648 = arith.constant 0 : i32
        %dma_wait3A_649 = arith.constant 0 : i32
        %dma_wait3A_650 = tpu.memref_slice %arg4[%add3A_640, %dma_wait3A_648, %dma_wait3A_649] : memref<16384x20x32xf32, #tpu.memory_space<hbm>> -> memref<1x20x32xf32, #tpu.memory_space<hbm>>
        %dma_wait3A_651 = tpu.memref_squeeze %dma_wait3A_650 : memref<1x20x32xf32, #tpu.memory_space<hbm>> -> memref<20x32xf32, #tpu.memory_space<hbm>>
        %dma_wait3A_652 = arith.constant 0 : i32
        %dma_wait3A_653 = arith.constant 0 : i32
        %dma_wait3A_654 = tpu.memref_slice %arg6[%dma_wait3A_652, %dma_wait3A_653] : memref<80x32xf32, #tpu.memory_space<vmem>> -> memref<20x32xf32, #tpu.memory_space<vmem>>
        tpu.wait_dma2 semaphore(%arg14 : memref<!tpu.dma_semaphore, #tpu.memory_space<semaphore_mem>>) src(%dma_wait3A_654 : memref<20x32xf32, #tpu.memory_space<vmem>>) dst(%dma_wait3A_651 : memref<20x32xf32, #tpu.memory_space<hbm>>)
        %add3A_655 = arith.constant 1 : i32
        %add3A_656 = arith.addi %add3A_638, %add3A_655 : i32
        %dma_wait3A_657 = arith.constant 20 : i32
        %dma_wait3A_658 = arith.constant 0 : i32
        %dma_wait3A_659 = tpu.memref_slice %arg6[%dma_wait3A_657, %dma_wait3A_658] : memref<80x32xf32, #tpu.memory_space<vmem>> -> memref<20x32xf32, #tpu.memory_space<vmem>>
        %dma_wait3A_660 = arith.constant 0 : i32
        %dma_wait3A_661 = arith.constant 0 : i32
        %dma_wait3A_662 = tpu.memref_slice %arg4[%add3A_656, %dma_wait3A_660, %dma_wait3A_661] : memref<16384x20x32xf32, #tpu.memory_space<hbm>> -> memref<1x20x32xf32, #tpu.memory_space<hbm>>
        %dma_wait3A_663 = tpu.memref_squeeze %dma_wait3A_662 : memref<1x20x32xf32, #tpu.memory_space<hbm>> -> memref<20x32xf32, #tpu.memory_space<hbm>>
        %dma_wait3A_664 = arith.constant 0 : i32
        %dma_wait3A_665 = arith.constant 0 : i32
        %dma_wait3A_666 = tpu.memref_slice %arg4[%add3A_656, %dma_wait3A_664, %dma_wait3A_665] : memref<16384x20x32xf32, #tpu.memory_space<hbm>> -> memref<1x20x32xf32, #tpu.memory_space<hbm>>
        %dma_wait3A_667 = tpu.memref_squeeze %dma_wait3A_666 : memref<1x20x32xf32, #tpu.memory_space<hbm>> -> memref<20x32xf32, #tpu.memory_space<hbm>>
        %dma_wait3A_668 = arith.constant 20 : i32
        %dma_wait3A_669 = arith.constant 0 : i32
        %dma_wait3A_670 = tpu.memref_slice %arg6[%dma_wait3A_668, %dma_wait3A_669] : memref<80x32xf32, #tpu.memory_space<vmem>> -> memref<20x32xf32, #tpu.memory_space<vmem>>
        tpu.wait_dma2 semaphore(%arg14 : memref<!tpu.dma_semaphore, #tpu.memory_space<semaphore_mem>>) src(%dma_wait3A_670 : memref<20x32xf32, #tpu.memory_space<vmem>>) dst(%dma_wait3A_667 : memref<20x32xf32, #tpu.memory_space<hbm>>)
        %add3A_671 = arith.constant 2 : i32
        %add3A_672 = arith.addi %add3A_638, %add3A_671 : i32
        %dma_wait3A_673 = arith.constant 40 : i32
        %dma_wait3A_674 = arith.constant 0 : i32
        %dma_wait3A_675 = tpu.memref_slice %arg6[%dma_wait3A_673, %dma_wait3A_674] : memref<80x32xf32, #tpu.memory_space<vmem>> -> memref<20x32xf32, #tpu.memory_space<vmem>>
        %dma_wait3A_676 = arith.constant 0 : i32
        %dma_wait3A_677 = arith.constant 0 : i32
        %dma_wait3A_678 = tpu.memref_slice %arg4[%add3A_672, %dma_wait3A_676, %dma_wait3A_677] : memref<16384x20x32xf32, #tpu.memory_space<hbm>> -> memref<1x20x32xf32, #tpu.memory_space<hbm>>
        %dma_wait3A_679 = tpu.memref_squeeze %dma_wait3A_678 : memref<1x20x32xf32, #tpu.memory_space<hbm>> -> memref<20x32xf32, #tpu.memory_space<hbm>>
        %dma_wait3A_680 = arith.constant 0 : i32
        %dma_wait3A_681 = arith.constant 0 : i32
        %dma_wait3A_682 = tpu.memref_slice %arg4[%add3A_672, %dma_wait3A_680, %dma_wait3A_681] : memref<16384x20x32xf32, #tpu.memory_space<hbm>> -> memref<1x20x32xf32, #tpu.memory_space<hbm>>
        %dma_wait3A_683 = tpu.memref_squeeze %dma_wait3A_682 : memref<1x20x32xf32, #tpu.memory_space<hbm>> -> memref<20x32xf32, #tpu.memory_space<hbm>>
        %dma_wait3A_684 = arith.constant 40 : i32
        %dma_wait3A_685 = arith.constant 0 : i32
        %dma_wait3A_686 = tpu.memref_slice %arg6[%dma_wait3A_684, %dma_wait3A_685] : memref<80x32xf32, #tpu.memory_space<vmem>> -> memref<20x32xf32, #tpu.memory_space<vmem>>
        tpu.wait_dma2 semaphore(%arg14 : memref<!tpu.dma_semaphore, #tpu.memory_space<semaphore_mem>>) src(%dma_wait3A_686 : memref<20x32xf32, #tpu.memory_space<vmem>>) dst(%dma_wait3A_683 : memref<20x32xf32, #tpu.memory_space<hbm>>)
        %add3A_687 = arith.constant 3 : i32
        %add3A_688 = arith.addi %add3A_638, %add3A_687 : i32
        %dma_wait3A_689 = arith.constant 60 : i32
        %dma_wait3A_690 = arith.constant 0 : i32
        %dma_wait3A_691 = tpu.memref_slice %arg6[%dma_wait3A_689, %dma_wait3A_690] : memref<80x32xf32, #tpu.memory_space<vmem>> -> memref<20x32xf32, #tpu.memory_space<vmem>>
        %dma_wait3A_692 = arith.constant 0 : i32
        %dma_wait3A_693 = arith.constant 0 : i32
        %dma_wait3A_694 = tpu.memref_slice %arg4[%add3A_688, %dma_wait3A_692, %dma_wait3A_693] : memref<16384x20x32xf32, #tpu.memory_space<hbm>> -> memref<1x20x32xf32, #tpu.memory_space<hbm>>
        %dma_wait3A_695 = tpu.memref_squeeze %dma_wait3A_694 : memref<1x20x32xf32, #tpu.memory_space<hbm>> -> memref<20x32xf32, #tpu.memory_space<hbm>>
        %dma_wait3A_696 = arith.constant 0 : i32
        %dma_wait3A_697 = arith.constant 0 : i32
        %dma_wait3A_698 = tpu.memref_slice %arg4[%add3A_688, %dma_wait3A_696, %dma_wait3A_697] : memref<16384x20x32xf32, #tpu.memory_space<hbm>> -> memref<1x20x32xf32, #tpu.memory_space<hbm>>
        %dma_wait3A_699 = tpu.memref_squeeze %dma_wait3A_698 : memref<1x20x32xf32, #tpu.memory_space<hbm>> -> memref<20x32xf32, #tpu.memory_space<hbm>>
        %dma_wait3A_700 = arith.constant 60 : i32
        %dma_wait3A_701 = arith.constant 0 : i32
        %dma_wait3A_702 = tpu.memref_slice %arg6[%dma_wait3A_700, %dma_wait3A_701] : memref<80x32xf32, #tpu.memory_space<vmem>> -> memref<20x32xf32, #tpu.memory_space<vmem>>
        tpu.wait_dma2 semaphore(%arg14 : memref<!tpu.dma_semaphore, #tpu.memory_space<semaphore_mem>>) src(%dma_wait3A_702 : memref<20x32xf32, #tpu.memory_space<vmem>>) dst(%dma_wait3A_699 : memref<20x32xf32, #tpu.memory_space<hbm>>)
        %add3A_703 = arith.constant 4 : i32
        %add3A_704 = arith.addi %add3A_310, %add3A_703 : i32
        %mul3A_705 = arith.constant 80 : i32
        %mul3A_706 = arith.muli %add3A_704, %mul3A_705 : i32
        %dma_start3A_707 = tpu.memref_slice %arg5[%mul3A_706] : memref<10240xi32, #tpu.memory_space<vmem>> -> memref<80xi32, #tpu.memory_space<vmem>>
        %dma_start3A_708 = arith.constant 0 : i32
        %dma_start3A_709 = arith.constant 0 : i32
        %dma_start3A_710 = tpu.memref_slice %arg3[%dma_start3A_708, %dma_start3A_709] : memref<1000000x32xf32, #tpu.memory_space<hbm>> -> memref<1000000x32xf32, #tpu.memory_space<hbm>>
        tpu.enqueue_indirect_dma source(%dma_start3A_710 : memref<1000000x32xf32, #tpu.memory_space<hbm>>) target(%arg6 : memref<80x32xf32, #tpu.memory_space<vmem>>) offsets(%dma_start3A_707 : memref<80xi32, #tpu.memory_space<vmem>>) semaphore(%arg10 : memref<!tpu.dma_semaphore, #tpu.memory_space<semaphore_mem>>)
      } else {
      }
      %mul3A_387 = arith.constant 4 : i32
      %mul3A_388 = arith.muli %scan3A_306, %mul3A_387 : i32
      %add3A_389 = arith.constant 1 : i32
      %add3A_390 = arith.addi %mul3A_388, %add3A_389 : i32
      %dma_wait3A_391 = arith.constant 0 : i32
      %dma_wait3A_392 = tpu.memref_slice %arg5[%dma_wait3A_391] : memref<10240xi32, #tpu.memory_space<vmem>> -> memref<80xi32, #tpu.memory_space<vmem>>
      %dma_wait3A_393 = arith.constant 0 : i32
      %dma_wait3A_394 = arith.constant 0 : i32
      %dma_wait3A_395 = tpu.memref_slice %arg3[%dma_wait3A_393, %dma_wait3A_394] : memref<1000000x32xf32, #tpu.memory_space<hbm>> -> memref<1000000x32xf32, #tpu.memory_space<hbm>>
      tpu.wait_indirect_dma semaphore(%arg11 : memref<!tpu.dma_semaphore, #tpu.memory_space<semaphore_mem>>) src(%dma_wait3A_395 : memref<1000000x32xf32, #tpu.memory_space<hbm>>) dst(%arg7 : memref<80x32xf32, #tpu.memory_space<vmem>>)
      %mul3A_396 = arith.constant 4 : i32
      %mul3A_397 = arith.muli %add3A_390, %mul3A_396 : i32
      %add3A_398 = arith.addi %select_n3A, %mul3A_397 : i32
      %add3A_399 = arith.constant 0 : i32
      %add3A_400 = arith.addi %add3A_398, %add3A_399 : i32
      %dma_start3A_401 = arith.constant 0 : i32
      %dma_start3A_402 = arith.constant 0 : i32
      %dma_start3A_403 = tpu.memref_slice %arg7[%dma_start3A_401, %dma_start3A_402] : memref<80x32xf32, #tpu.memory_space<vmem>> -> memref<20x32xf32, #tpu.memory_space<vmem>>
      %dma_start3A_404 = arith.constant 0 : i32
      %dma_start3A_405 = arith.constant 0 : i32
      %dma_start3A_406 = tpu.memref_slice %arg4[%add3A_400, %dma_start3A_404, %dma_start3A_405] : memref<16384x20x32xf32, #tpu.memory_space<hbm>> -> memref<1x20x32xf32, #tpu.memory_space<hbm>>
      %dma_start3A_407 = tpu.memref_squeeze %dma_start3A_406 : memref<1x20x32xf32, #tpu.memory_space<hbm>> -> memref<20x32xf32, #tpu.memory_space<hbm>>
      %dma_start3A_408 = arith.constant 0 : i32
      %dma_start3A_409 = arith.constant 0 : i32
      %dma_start3A_410 = tpu.memref_slice %arg4[%add3A_400, %dma_start3A_408, %dma_start3A_409] : memref<16384x20x32xf32, #tpu.memory_space<hbm>> -> memref<1x20x32xf32, #tpu.memory_space<hbm>>
      %dma_start3A_411 = tpu.memref_squeeze %dma_start3A_410 : memref<1x20x32xf32, #tpu.memory_space<hbm>> -> memref<20x32xf32, #tpu.memory_space<hbm>>
      %dma_start3A_412 = arith.constant 0 : i32
      %dma_start3A_413 = arith.constant 0 : i32
      %dma_start3A_414 = tpu.memref_slice %arg7[%dma_start3A_412, %dma_start3A_413] : memref<80x32xf32, #tpu.memory_space<vmem>> -> memref<20x32xf32, #tpu.memory_space<vmem>>
      tpu.enqueue_dma source(%dma_start3A_414 : memref<20x32xf32, #tpu.memory_space<vmem>>) target(%dma_start3A_411 : memref<20x32xf32, #tpu.memory_space<hbm>>) target_semaphore(%arg15 : memref<!tpu.dma_semaphore, #tpu.memory_space<semaphore_mem>>)
      %add3A_415 = arith.constant 1 : i32
      %add3A_416 = arith.addi %add3A_398, %add3A_415 : i32
      %dma_start3A_417 = arith.constant 20 : i32
      %dma_start3A_418 = arith.constant 0 : i32
      %dma_start3A_419 = tpu.memref_slice %arg7[%dma_start3A_417, %dma_start3A_418] : memref<80x32xf32, #tpu.memory_space<vmem>> -> memref<20x32xf32, #tpu.memory_space<vmem>>
      %dma_start3A_420 = arith.constant 0 : i32
      %dma_start3A_421 = arith.constant 0 : i32
      %dma_start3A_422 = tpu.memref_slice %arg4[%add3A_416, %dma_start3A_420, %dma_start3A_421] : memref<16384x20x32xf32, #tpu.memory_space<hbm>> -> memref<1x20x32xf32, #tpu.memory_space<hbm>>
      %dma_start3A_423 = tpu.memref_squeeze %dma_start3A_422 : memref<1x20x32xf32, #tpu.memory_space<hbm>> -> memref<20x32xf32, #tpu.memory_space<hbm>>
      %dma_start3A_424 = arith.constant 0 : i32
      %dma_start3A_425 = arith.constant 0 : i32
      %dma_start3A_426 = tpu.memref_slice %arg4[%add3A_416, %dma_start3A_424, %dma_start3A_425] : memref<16384x20x32xf32, #tpu.memory_space<hbm>> -> memref<1x20x32xf32, #tpu.memory_space<hbm>>
      %dma_start3A_427 = tpu.memref_squeeze %dma_start3A_426 : memref<1x20x32xf32, #tpu.memory_space<hbm>> -> memref<20x32xf32, #tpu.memory_space<hbm>>
      %dma_start3A_428 = arith.constant 20 : i32
      %dma_start3A_429 = arith.constant 0 : i32
      %dma_start3A_430 = tpu.memref_slice %arg7[%dma_start3A_428, %dma_start3A_429] : memref<80x32xf32, #tpu.memory_space<vmem>> -> memref<20x32xf32, #tpu.memory_space<vmem>>
      tpu.enqueue_dma source(%dma_start3A_430 : memref<20x32xf32, #tpu.memory_space<vmem>>) target(%dma_start3A_427 : memref<20x32xf32, #tpu.memory_space<hbm>>) target_semaphore(%arg15 : memref<!tpu.dma_semaphore, #tpu.memory_space<semaphore_mem>>)
      %add3A_431 = arith.constant 2 : i32
      %add3A_432 = arith.addi %add3A_398, %add3A_431 : i32
      %dma_start3A_433 = arith.constant 40 : i32
      %dma_start3A_434 = arith.constant 0 : i32
      %dma_start3A_435 = tpu.memref_slice %arg7[%dma_start3A_433, %dma_start3A_434] : memref<80x32xf32, #tpu.memory_space<vmem>> -> memref<20x32xf32, #tpu.memory_space<vmem>>
      %dma_start3A_436 = arith.constant 0 : i32
      %dma_start3A_437 = arith.constant 0 : i32
      %dma_start3A_438 = tpu.memref_slice %arg4[%add3A_432, %dma_start3A_436, %dma_start3A_437] : memref<16384x20x32xf32, #tpu.memory_space<hbm>> -> memref<1x20x32xf32, #tpu.memory_space<hbm>>
      %dma_start3A_439 = tpu.memref_squeeze %dma_start3A_438 : memref<1x20x32xf32, #tpu.memory_space<hbm>> -> memref<20x32xf32, #tpu.memory_space<hbm>>
      %dma_start3A_440 = arith.constant 0 : i32
      %dma_start3A_441 = arith.constant 0 : i32
      %dma_start3A_442 = tpu.memref_slice %arg4[%add3A_432, %dma_start3A_440, %dma_start3A_441] : memref<16384x20x32xf32, #tpu.memory_space<hbm>> -> memref<1x20x32xf32, #tpu.memory_space<hbm>>
      %dma_start3A_443 = tpu.memref_squeeze %dma_start3A_442 : memref<1x20x32xf32, #tpu.memory_space<hbm>> -> memref<20x32xf32, #tpu.memory_space<hbm>>
      %dma_start3A_444 = arith.constant 40 : i32
      %dma_start3A_445 = arith.constant 0 : i32
      %dma_start3A_446 = tpu.memref_slice %arg7[%dma_start3A_444, %dma_start3A_445] : memref<80x32xf32, #tpu.memory_space<vmem>> -> memref<20x32xf32, #tpu.memory_space<vmem>>
      tpu.enqueue_dma source(%dma_start3A_446 : memref<20x32xf32, #tpu.memory_space<vmem>>) target(%dma_start3A_443 : memref<20x32xf32, #tpu.memory_space<hbm>>) target_semaphore(%arg15 : memref<!tpu.dma_semaphore, #tpu.memory_space<semaphore_mem>>)
      %add3A_447 = arith.constant 3 : i32
      %add3A_448 = arith.addi %add3A_398, %add3A_447 : i32
      %dma_start3A_449 = arith.constant 60 : i32
      %dma_start3A_450 = arith.constant 0 : i32
      %dma_start3A_451 = tpu.memref_slice %arg7[%dma_start3A_449, %dma_start3A_450] : memref<80x32xf32, #tpu.memory_space<vmem>> -> memref<20x32xf32, #tpu.memory_space<vmem>>
      %dma_start3A_452 = arith.constant 0 : i32
      %dma_start3A_453 = arith.constant 0 : i32
      %dma_start3A_454 = tpu.memref_slice %arg4[%add3A_448, %dma_start3A_452, %dma_start3A_453] : memref<16384x20x32xf32, #tpu.memory_space<hbm>> -> memref<1x20x32xf32, #tpu.memory_space<hbm>>
      %dma_start3A_455 = tpu.memref_squeeze %dma_start3A_454 : memref<1x20x32xf32, #tpu.memory_space<hbm>> -> memref<20x32xf32, #tpu.memory_space<hbm>>
      %dma_start3A_456 = arith.constant 0 : i32
      %dma_start3A_457 = arith.constant 0 : i32
      %dma_start3A_458 = tpu.memref_slice %arg4[%add3A_448, %dma_start3A_456, %dma_start3A_457] : memref<16384x20x32xf32, #tpu.memory_space<hbm>> -> memref<1x20x32xf32, #tpu.memory_space<hbm>>
      %dma_start3A_459 = tpu.memref_squeeze %dma_start3A_458 : memref<1x20x32xf32, #tpu.memory_space<hbm>> -> memref<20x32xf32, #tpu.memory_space<hbm>>
      %dma_start3A_460 = arith.constant 60 : i32
      %dma_start3A_461 = arith.constant 0 : i32
      %dma_start3A_462 = tpu.memref_slice %arg7[%dma_start3A_460, %dma_start3A_461] : memref<80x32xf32, #tpu.memory_space<vmem>> -> memref<20x32xf32, #tpu.memory_space<vmem>>
      tpu.enqueue_dma source(%dma_start3A_462 : memref<20x32xf32, #tpu.memory_space<vmem>>) target(%dma_start3A_459 : memref<20x32xf32, #tpu.memory_space<hbm>>) target_semaphore(%arg15 : memref<!tpu.dma_semaphore, #tpu.memory_space<semaphore_mem>>)
      %add3A_463 = arith.constant 4 : i32
      %add3A_464 = arith.addi %add3A_390, %add3A_463 : i32
      %lt3A_465 = arith.constant 128 : i32
      %lt3A_466 = arith.cmpi slt, %add3A_464, %lt3A_465 : i32
      %convert_element_type3A_467 = arith.extui %lt3A_466 : i1 to i32
      %cond3A_468 = arith.constant 0 : i32
      %cond3A_469 = arith.cmpi ne, %convert_element_type3A_467, %cond3A_468 : i32
      scf.if %cond3A_469 {
        %mul3A_636 = arith.constant 4 : i32
        %mul3A_637 = arith.muli %add3A_390, %mul3A_636 : i32
        %add3A_638 = arith.addi %select_n3A, %mul3A_637 : i32
        %add3A_639 = arith.constant 0 : i32
        %add3A_640 = arith.addi %add3A_638, %add3A_639 : i32
        %dma_wait3A_641 = arith.constant 0 : i32
        %dma_wait3A_642 = arith.constant 0 : i32
        %dma_wait3A_643 = tpu.memref_slice %arg7[%dma_wait3A_641, %dma_wait3A_642] : memref<80x32xf32, #tpu.memory_space<vmem>> -> memref<20x32xf32, #tpu.memory_space<vmem>>
        %dma_wait3A_644 = arith.constant 0 : i32
        %dma_wait3A_645 = arith.constant 0 : i32
        %dma_wait3A_646 = tpu.memref_slice %arg4[%add3A_640, %dma_wait3A_644, %dma_wait3A_645] : memref<16384x20x32xf32, #tpu.memory_space<hbm>> -> memref<1x20x32xf32, #tpu.memory_space<hbm>>
        %dma_wait3A_647 = tpu.memref_squeeze %dma_wait3A_646 : memref<1x20x32xf32, #tpu.memory_space<hbm>> -> memref<20x32xf32, #tpu.memory_space<hbm>>
        %dma_wait3A_648 = arith.constant 0 : i32
        %dma_wait3A_649 = arith.constant 0 : i32
        %dma_wait3A_650 = tpu.memref_slice %arg4[%add3A_640, %dma_wait3A_648, %dma_wait3A_649] : memref<16384x20x32xf32, #tpu.memory_space<hbm>> -> memref<1x20x32xf32, #tpu.memory_space<hbm>>
        %dma_wait3A_651 = tpu.memref_squeeze %dma_wait3A_650 : memref<1x20x32xf32, #tpu.memory_space<hbm>> -> memref<20x32xf32, #tpu.memory_space<hbm>>
        %dma_wait3A_652 = arith.constant 0 : i32
        %dma_wait3A_653 = arith.constant 0 : i32
        %dma_wait3A_654 = tpu.memref_slice %arg7[%dma_wait3A_652, %dma_wait3A_653] : memref<80x32xf32, #tpu.memory_space<vmem>> -> memref<20x32xf32, #tpu.memory_space<vmem>>
        tpu.wait_dma2 semaphore(%arg15 : memref<!tpu.dma_semaphore, #tpu.memory_space<semaphore_mem>>) src(%dma_wait3A_654 : memref<20x32xf32, #tpu.memory_space<vmem>>) dst(%dma_wait3A_651 : memref<20x32xf32, #tpu.memory_space<hbm>>)
        %add3A_655 = arith.constant 1 : i32
        %add3A_656 = arith.addi %add3A_638, %add3A_655 : i32
        %dma_wait3A_657 = arith.constant 20 : i32
        %dma_wait3A_658 = arith.constant 0 : i32
        %dma_wait3A_659 = tpu.memref_slice %arg7[%dma_wait3A_657, %dma_wait3A_658] : memref<80x32xf32, #tpu.memory_space<vmem>> -> memref<20x32xf32, #tpu.memory_space<vmem>>
        %dma_wait3A_660 = arith.constant 0 : i32
        %dma_wait3A_661 = arith.constant 0 : i32
        %dma_wait3A_662 = tpu.memref_slice %arg4[%add3A_656, %dma_wait3A_660, %dma_wait3A_661] : memref<16384x20x32xf32, #tpu.memory_space<hbm>> -> memref<1x20x32xf32, #tpu.memory_space<hbm>>
        %dma_wait3A_663 = tpu.memref_squeeze %dma_wait3A_662 : memref<1x20x32xf32, #tpu.memory_space<hbm>> -> memref<20x32xf32, #tpu.memory_space<hbm>>
        %dma_wait3A_664 = arith.constant 0 : i32
        %dma_wait3A_665 = arith.constant 0 : i32
        %dma_wait3A_666 = tpu.memref_slice %arg4[%add3A_656, %dma_wait3A_664, %dma_wait3A_665] : memref<16384x20x32xf32, #tpu.memory_space<hbm>> -> memref<1x20x32xf32, #tpu.memory_space<hbm>>
        %dma_wait3A_667 = tpu.memref_squeeze %dma_wait3A_666 : memref<1x20x32xf32, #tpu.memory_space<hbm>> -> memref<20x32xf32, #tpu.memory_space<hbm>>
        %dma_wait3A_668 = arith.constant 20 : i32
        %dma_wait3A_669 = arith.constant 0 : i32
        %dma_wait3A_670 = tpu.memref_slice %arg7[%dma_wait3A_668, %dma_wait3A_669] : memref<80x32xf32, #tpu.memory_space<vmem>> -> memref<20x32xf32, #tpu.memory_space<vmem>>
        tpu.wait_dma2 semaphore(%arg15 : memref<!tpu.dma_semaphore, #tpu.memory_space<semaphore_mem>>) src(%dma_wait3A_670 : memref<20x32xf32, #tpu.memory_space<vmem>>) dst(%dma_wait3A_667 : memref<20x32xf32, #tpu.memory_space<hbm>>)
        %add3A_671 = arith.constant 2 : i32
        %add3A_672 = arith.addi %add3A_638, %add3A_671 : i32
        %dma_wait3A_673 = arith.constant 40 : i32
        %dma_wait3A_674 = arith.constant 0 : i32
        %dma_wait3A_675 = tpu.memref_slice %arg7[%dma_wait3A_673, %dma_wait3A_674] : memref<80x32xf32, #tpu.memory_space<vmem>> -> memref<20x32xf32, #tpu.memory_space<vmem>>
        %dma_wait3A_676 = arith.constant 0 : i32
        %dma_wait3A_677 = arith.constant 0 : i32
        %dma_wait3A_678 = tpu.memref_slice %arg4[%add3A_672, %dma_wait3A_676, %dma_wait3A_677] : memref<16384x20x32xf32, #tpu.memory_space<hbm>> -> memref<1x20x32xf32, #tpu.memory_space<hbm>>
        %dma_wait3A_679 = tpu.memref_squeeze %dma_wait3A_678 : memref<1x20x32xf32, #tpu.memory_space<hbm>> -> memref<20x32xf32, #tpu.memory_space<hbm>>
        %dma_wait3A_680 = arith.constant 0 : i32
        %dma_wait3A_681 = arith.constant 0 : i32
        %dma_wait3A_682 = tpu.memref_slice %arg4[%add3A_672, %dma_wait3A_680, %dma_wait3A_681] : memref<16384x20x32xf32, #tpu.memory_space<hbm>> -> memref<1x20x32xf32, #tpu.memory_space<hbm>>
        %dma_wait3A_683 = tpu.memref_squeeze %dma_wait3A_682 : memref<1x20x32xf32, #tpu.memory_space<hbm>> -> memref<20x32xf32, #tpu.memory_space<hbm>>
        %dma_wait3A_684 = arith.constant 40 : i32
        %dma_wait3A_685 = arith.constant 0 : i32
        %dma_wait3A_686 = tpu.memref_slice %arg7[%dma_wait3A_684, %dma_wait3A_685] : memref<80x32xf32, #tpu.memory_space<vmem>> -> memref<20x32xf32, #tpu.memory_space<vmem>>
        tpu.wait_dma2 semaphore(%arg15 : memref<!tpu.dma_semaphore, #tpu.memory_space<semaphore_mem>>) src(%dma_wait3A_686 : memref<20x32xf32, #tpu.memory_space<vmem>>) dst(%dma_wait3A_683 : memref<20x32xf32, #tpu.memory_space<hbm>>)
        %add3A_687 = arith.constant 3 : i32
        %add3A_688 = arith.addi %add3A_638, %add3A_687 : i32
        %dma_wait3A_689 = arith.constant 60 : i32
        %dma_wait3A_690 = arith.constant 0 : i32
        %dma_wait3A_691 = tpu.memref_slice %arg7[%dma_wait3A_689, %dma_wait3A_690] : memref<80x32xf32, #tpu.memory_space<vmem>> -> memref<20x32xf32, #tpu.memory_space<vmem>>
        %dma_wait3A_692 = arith.constant 0 : i32
        %dma_wait3A_693 = arith.constant 0 : i32
        %dma_wait3A_694 = tpu.memref_slice %arg4[%add3A_688, %dma_wait3A_692, %dma_wait3A_693] : memref<16384x20x32xf32, #tpu.memory_space<hbm>> -> memref<1x20x32xf32, #tpu.memory_space<hbm>>
        %dma_wait3A_695 = tpu.memref_squeeze %dma_wait3A_694 : memref<1x20x32xf32, #tpu.memory_space<hbm>> -> memref<20x32xf32, #tpu.memory_space<hbm>>
        %dma_wait3A_696 = arith.constant 0 : i32
        %dma_wait3A_697 = arith.constant 0 : i32
        %dma_wait3A_698 = tpu.memref_slice %arg4[%add3A_688, %dma_wait3A_696, %dma_wait3A_697] : memref<16384x20x32xf32, #tpu.memory_space<hbm>> -> memref<1x20x32xf32, #tpu.memory_space<hbm>>
        %dma_wait3A_699 = tpu.memref_squeeze %dma_wait3A_698 : memref<1x20x32xf32, #tpu.memory_space<hbm>> -> memref<20x32xf32, #tpu.memory_space<hbm>>
        %dma_wait3A_700 = arith.constant 60 : i32
        %dma_wait3A_701 = arith.constant 0 : i32
        %dma_wait3A_702 = tpu.memref_slice %arg7[%dma_wait3A_700, %dma_wait3A_701] : memref<80x32xf32, #tpu.memory_space<vmem>> -> memref<20x32xf32, #tpu.memory_space<vmem>>
        tpu.wait_dma2 semaphore(%arg15 : memref<!tpu.dma_semaphore, #tpu.memory_space<semaphore_mem>>) src(%dma_wait3A_702 : memref<20x32xf32, #tpu.memory_space<vmem>>) dst(%dma_wait3A_699 : memref<20x32xf32, #tpu.memory_space<hbm>>)
        %add3A_703 = arith.constant 4 : i32
        %add3A_704 = arith.addi %add3A_390, %add3A_703 : i32
        %mul3A_705 = arith.constant 80 : i32
        %mul3A_706 = arith.muli %add3A_704, %mul3A_705 : i32
        %dma_start3A_707 = tpu.memref_slice %arg5[%mul3A_706] : memref<10240xi32, #tpu.memory_space<vmem>> -> memref<80xi32, #tpu.memory_space<vmem>>
        %dma_start3A_708 = arith.constant 0 : i32
        %dma_start3A_709 = arith.constant 0 : i32
        %dma_start3A_710 = tpu.memref_slice %arg3[%dma_start3A_708, %dma_start3A_709] : memref<1000000x32xf32, #tpu.memory_space<hbm>> -> memref<1000000x32xf32, #tpu.memory_space<hbm>>
        tpu.enqueue_indirect_dma source(%dma_start3A_710 : memref<1000000x32xf32, #tpu.memory_space<hbm>>) target(%arg7 : memref<80x32xf32, #tpu.memory_space<vmem>>) offsets(%dma_start3A_707 : memref<80xi32, #tpu.memory_space<vmem>>) semaphore(%arg11 : memref<!tpu.dma_semaphore, #tpu.memory_space<semaphore_mem>>)
      } else {
      }
      %mul3A_470 = arith.constant 4 : i32
      %mul3A_471 = arith.muli %scan3A_306, %mul3A_470 : i32
      %add3A_472 = arith.constant 2 : i32
      %add3A_473 = arith.addi %mul3A_471, %add3A_472 : i32
      %dma_wait3A_474 = arith.constant 0 : i32
      %dma_wait3A_475 = tpu.memref_slice %arg5[%dma_wait3A_474] : memref<10240xi32, #tpu.memory_space<vmem>> -> memref<80xi32, #tpu.memory_space<vmem>>
      %dma_wait3A_476 = arith.constant 0 : i32
      %dma_wait3A_477 = arith.constant 0 : i32
      %dma_wait3A_478 = tpu.memref_slice %arg3[%dma_wait3A_476, %dma_wait3A_477] : memref<1000000x32xf32, #tpu.memory_space<hbm>> -> memref<1000000x32xf32, #tpu.memory_space<hbm>>
      tpu.wait_indirect_dma semaphore(%arg12 : memref<!tpu.dma_semaphore, #tpu.memory_space<semaphore_mem>>) src(%dma_wait3A_478 : memref<1000000x32xf32, #tpu.memory_space<hbm>>) dst(%arg8 : memref<80x32xf32, #tpu.memory_space<vmem>>)
      %mul3A_479 = arith.constant 4 : i32
      %mul3A_480 = arith.muli %add3A_473, %mul3A_479 : i32
      %add3A_481 = arith.addi %select_n3A, %mul3A_480 : i32
      %add3A_482 = arith.constant 0 : i32
      %add3A_483 = arith.addi %add3A_481, %add3A_482 : i32
      %dma_start3A_484 = arith.constant 0 : i32
      %dma_start3A_485 = arith.constant 0 : i32
      %dma_start3A_486 = tpu.memref_slice %arg8[%dma_start3A_484, %dma_start3A_485] : memref<80x32xf32, #tpu.memory_space<vmem>> -> memref<20x32xf32, #tpu.memory_space<vmem>>
      %dma_start3A_487 = arith.constant 0 : i32
      %dma_start3A_488 = arith.constant 0 : i32
      %dma_start3A_489 = tpu.memref_slice %arg4[%add3A_483, %dma_start3A_487, %dma_start3A_488] : memref<16384x20x32xf32, #tpu.memory_space<hbm>> -> memref<1x20x32xf32, #tpu.memory_space<hbm>>
      %dma_start3A_490 = tpu.memref_squeeze %dma_start3A_489 : memref<1x20x32xf32, #tpu.memory_space<hbm>> -> memref<20x32xf32, #tpu.memory_space<hbm>>
      %dma_start3A_491 = arith.constant 0 : i32
      %dma_start3A_492 = arith.constant 0 : i32
      %dma_start3A_493 = tpu.memref_slice %arg4[%add3A_483, %dma_start3A_491, %dma_start3A_492] : memref<16384x20x32xf32, #tpu.memory_space<hbm>> -> memref<1x20x32xf32, #tpu.memory_space<hbm>>
      %dma_start3A_494 = tpu.memref_squeeze %dma_start3A_493 : memref<1x20x32xf32, #tpu.memory_space<hbm>> -> memref<20x32xf32, #tpu.memory_space<hbm>>
      %dma_start3A_495 = arith.constant 0 : i32
      %dma_start3A_496 = arith.constant 0 : i32
      %dma_start3A_497 = tpu.memref_slice %arg8[%dma_start3A_495, %dma_start3A_496] : memref<80x32xf32, #tpu.memory_space<vmem>> -> memref<20x32xf32, #tpu.memory_space<vmem>>
      tpu.enqueue_dma source(%dma_start3A_497 : memref<20x32xf32, #tpu.memory_space<vmem>>) target(%dma_start3A_494 : memref<20x32xf32, #tpu.memory_space<hbm>>) target_semaphore(%arg16 : memref<!tpu.dma_semaphore, #tpu.memory_space<semaphore_mem>>)
      %add3A_498 = arith.constant 1 : i32
      %add3A_499 = arith.addi %add3A_481, %add3A_498 : i32
      %dma_start3A_500 = arith.constant 20 : i32
      %dma_start3A_501 = arith.constant 0 : i32
      %dma_start3A_502 = tpu.memref_slice %arg8[%dma_start3A_500, %dma_start3A_501] : memref<80x32xf32, #tpu.memory_space<vmem>> -> memref<20x32xf32, #tpu.memory_space<vmem>>
      %dma_start3A_503 = arith.constant 0 : i32
      %dma_start3A_504 = arith.constant 0 : i32
      %dma_start3A_505 = tpu.memref_slice %arg4[%add3A_499, %dma_start3A_503, %dma_start3A_504] : memref<16384x20x32xf32, #tpu.memory_space<hbm>> -> memref<1x20x32xf32, #tpu.memory_space<hbm>>
      %dma_start3A_506 = tpu.memref_squeeze %dma_start3A_505 : memref<1x20x32xf32, #tpu.memory_space<hbm>> -> memref<20x32xf32, #tpu.memory_space<hbm>>
      %dma_start3A_507 = arith.constant 0 : i32
      %dma_start3A_508 = arith.constant 0 : i32
      %dma_start3A_509 = tpu.memref_slice %arg4[%add3A_499, %dma_start3A_507, %dma_start3A_508] : memref<16384x20x32xf32, #tpu.memory_space<hbm>> -> memref<1x20x32xf32, #tpu.memory_space<hbm>>
      %dma_start3A_510 = tpu.memref_squeeze %dma_start3A_509 : memref<1x20x32xf32, #tpu.memory_space<hbm>> -> memref<20x32xf32, #tpu.memory_space<hbm>>
      %dma_start3A_511 = arith.constant 20 : i32
      %dma_start3A_512 = arith.constant 0 : i32
      %dma_start3A_513 = tpu.memref_slice %arg8[%dma_start3A_511, %dma_start3A_512] : memref<80x32xf32, #tpu.memory_space<vmem>> -> memref<20x32xf32, #tpu.memory_space<vmem>>
      tpu.enqueue_dma source(%dma_start3A_513 : memref<20x32xf32, #tpu.memory_space<vmem>>) target(%dma_start3A_510 : memref<20x32xf32, #tpu.memory_space<hbm>>) target_semaphore(%arg16 : memref<!tpu.dma_semaphore, #tpu.memory_space<semaphore_mem>>)
      %add3A_514 = arith.constant 2 : i32
      %add3A_515 = arith.addi %add3A_481, %add3A_514 : i32
      %dma_start3A_516 = arith.constant 40 : i32
      %dma_start3A_517 = arith.constant 0 : i32
      %dma_start3A_518 = tpu.memref_slice %arg8[%dma_start3A_516, %dma_start3A_517] : memref<80x32xf32, #tpu.memory_space<vmem>> -> memref<20x32xf32, #tpu.memory_space<vmem>>
      %dma_start3A_519 = arith.constant 0 : i32
      %dma_start3A_520 = arith.constant 0 : i32
      %dma_start3A_521 = tpu.memref_slice %arg4[%add3A_515, %dma_start3A_519, %dma_start3A_520] : memref<16384x20x32xf32, #tpu.memory_space<hbm>> -> memref<1x20x32xf32, #tpu.memory_space<hbm>>
      %dma_start3A_522 = tpu.memref_squeeze %dma_start3A_521 : memref<1x20x32xf32, #tpu.memory_space<hbm>> -> memref<20x32xf32, #tpu.memory_space<hbm>>
      %dma_start3A_523 = arith.constant 0 : i32
      %dma_start3A_524 = arith.constant 0 : i32
      %dma_start3A_525 = tpu.memref_slice %arg4[%add3A_515, %dma_start3A_523, %dma_start3A_524] : memref<16384x20x32xf32, #tpu.memory_space<hbm>> -> memref<1x20x32xf32, #tpu.memory_space<hbm>>
      %dma_start3A_526 = tpu.memref_squeeze %dma_start3A_525 : memref<1x20x32xf32, #tpu.memory_space<hbm>> -> memref<20x32xf32, #tpu.memory_space<hbm>>
      %dma_start3A_527 = arith.constant 40 : i32
      %dma_start3A_528 = arith.constant 0 : i32
      %dma_start3A_529 = tpu.memref_slice %arg8[%dma_start3A_527, %dma_start3A_528] : memref<80x32xf32, #tpu.memory_space<vmem>> -> memref<20x32xf32, #tpu.memory_space<vmem>>
      tpu.enqueue_dma source(%dma_start3A_529 : memref<20x32xf32, #tpu.memory_space<vmem>>) target(%dma_start3A_526 : memref<20x32xf32, #tpu.memory_space<hbm>>) target_semaphore(%arg16 : memref<!tpu.dma_semaphore, #tpu.memory_space<semaphore_mem>>)
      %add3A_530 = arith.constant 3 : i32
      %add3A_531 = arith.addi %add3A_481, %add3A_530 : i32
      %dma_start3A_532 = arith.constant 60 : i32
      %dma_start3A_533 = arith.constant 0 : i32
      %dma_start3A_534 = tpu.memref_slice %arg8[%dma_start3A_532, %dma_start3A_533] : memref<80x32xf32, #tpu.memory_space<vmem>> -> memref<20x32xf32, #tpu.memory_space<vmem>>
      %dma_start3A_535 = arith.constant 0 : i32
      %dma_start3A_536 = arith.constant 0 : i32
      %dma_start3A_537 = tpu.memref_slice %arg4[%add3A_531, %dma_start3A_535, %dma_start3A_536] : memref<16384x20x32xf32, #tpu.memory_space<hbm>> -> memref<1x20x32xf32, #tpu.memory_space<hbm>>
      %dma_start3A_538 = tpu.memref_squeeze %dma_start3A_537 : memref<1x20x32xf32, #tpu.memory_space<hbm>> -> memref<20x32xf32, #tpu.memory_space<hbm>>
      %dma_start3A_539 = arith.constant 0 : i32
      %dma_start3A_540 = arith.constant 0 : i32
      %dma_start3A_541 = tpu.memref_slice %arg4[%add3A_531, %dma_start3A_539, %dma_start3A_540] : memref<16384x20x32xf32, #tpu.memory_space<hbm>> -> memref<1x20x32xf32, #tpu.memory_space<hbm>>
      %dma_start3A_542 = tpu.memref_squeeze %dma_start3A_541 : memref<1x20x32xf32, #tpu.memory_space<hbm>> -> memref<20x32xf32, #tpu.memory_space<hbm>>
      %dma_start3A_543 = arith.constant 60 : i32
      %dma_start3A_544 = arith.constant 0 : i32
      %dma_start3A_545 = tpu.memref_slice %arg8[%dma_start3A_543, %dma_start3A_544] : memref<80x32xf32, #tpu.memory_space<vmem>> -> memref<20x32xf32, #tpu.memory_space<vmem>>
      tpu.enqueue_dma source(%dma_start3A_545 : memref<20x32xf32, #tpu.memory_space<vmem>>) target(%dma_start3A_542 : memref<20x32xf32, #tpu.memory_space<hbm>>) target_semaphore(%arg16 : memref<!tpu.dma_semaphore, #tpu.memory_space<semaphore_mem>>)
      %add3A_546 = arith.constant 4 : i32
      %add3A_547 = arith.addi %add3A_473, %add3A_546 : i32
      %lt3A_548 = arith.constant 128 : i32
      %lt3A_549 = arith.cmpi slt, %add3A_547, %lt3A_548 : i32
      %convert_element_type3A_550 = arith.extui %lt3A_549 : i1 to i32
      %cond3A_551 = arith.constant 0 : i32
      %cond3A_552 = arith.cmpi ne, %convert_element_type3A_550, %cond3A_551 : i32
      scf.if %cond3A_552 {
        %mul3A_636 = arith.constant 4 : i32
        %mul3A_637 = arith.muli %add3A_473, %mul3A_636 : i32
        %add3A_638 = arith.addi %select_n3A, %mul3A_637 : i32
        %add3A_639 = arith.constant 0 : i32
        %add3A_640 = arith.addi %add3A_638, %add3A_639 : i32
        %dma_wait3A_641 = arith.constant 0 : i32
        %dma_wait3A_642 = arith.constant 0 : i32
        %dma_wait3A_643 = tpu.memref_slice %arg8[%dma_wait3A_641, %dma_wait3A_642] : memref<80x32xf32, #tpu.memory_space<vmem>> -> memref<20x32xf32, #tpu.memory_space<vmem>>
        %dma_wait3A_644 = arith.constant 0 : i32
        %dma_wait3A_645 = arith.constant 0 : i32
        %dma_wait3A_646 = tpu.memref_slice %arg4[%add3A_640, %dma_wait3A_644, %dma_wait3A_645] : memref<16384x20x32xf32, #tpu.memory_space<hbm>> -> memref<1x20x32xf32, #tpu.memory_space<hbm>>
        %dma_wait3A_647 = tpu.memref_squeeze %dma_wait3A_646 : memref<1x20x32xf32, #tpu.memory_space<hbm>> -> memref<20x32xf32, #tpu.memory_space<hbm>>
        %dma_wait3A_648 = arith.constant 0 : i32
        %dma_wait3A_649 = arith.constant 0 : i32
        %dma_wait3A_650 = tpu.memref_slice %arg4[%add3A_640, %dma_wait3A_648, %dma_wait3A_649] : memref<16384x20x32xf32, #tpu.memory_space<hbm>> -> memref<1x20x32xf32, #tpu.memory_space<hbm>>
        %dma_wait3A_651 = tpu.memref_squeeze %dma_wait3A_650 : memref<1x20x32xf32, #tpu.memory_space<hbm>> -> memref<20x32xf32, #tpu.memory_space<hbm>>
        %dma_wait3A_652 = arith.constant 0 : i32
        %dma_wait3A_653 = arith.constant 0 : i32
        %dma_wait3A_654 = tpu.memref_slice %arg8[%dma_wait3A_652, %dma_wait3A_653] : memref<80x32xf32, #tpu.memory_space<vmem>> -> memref<20x32xf32, #tpu.memory_space<vmem>>
        tpu.wait_dma2 semaphore(%arg16 : memref<!tpu.dma_semaphore, #tpu.memory_space<semaphore_mem>>) src(%dma_wait3A_654 : memref<20x32xf32, #tpu.memory_space<vmem>>) dst(%dma_wait3A_651 : memref<20x32xf32, #tpu.memory_space<hbm>>)
        %add3A_655 = arith.constant 1 : i32
        %add3A_656 = arith.addi %add3A_638, %add3A_655 : i32
        %dma_wait3A_657 = arith.constant 20 : i32
        %dma_wait3A_658 = arith.constant 0 : i32
        %dma_wait3A_659 = tpu.memref_slice %arg8[%dma_wait3A_657, %dma_wait3A_658] : memref<80x32xf32, #tpu.memory_space<vmem>> -> memref<20x32xf32, #tpu.memory_space<vmem>>
        %dma_wait3A_660 = arith.constant 0 : i32
        %dma_wait3A_661 = arith.constant 0 : i32
        %dma_wait3A_662 = tpu.memref_slice %arg4[%add3A_656, %dma_wait3A_660, %dma_wait3A_661] : memref<16384x20x32xf32, #tpu.memory_space<hbm>> -> memref<1x20x32xf32, #tpu.memory_space<hbm>>
        %dma_wait3A_663 = tpu.memref_squeeze %dma_wait3A_662 : memref<1x20x32xf32, #tpu.memory_space<hbm>> -> memref<20x32xf32, #tpu.memory_space<hbm>>
        %dma_wait3A_664 = arith.constant 0 : i32
        %dma_wait3A_665 = arith.constant 0 : i32
        %dma_wait3A_666 = tpu.memref_slice %arg4[%add3A_656, %dma_wait3A_664, %dma_wait3A_665] : memref<16384x20x32xf32, #tpu.memory_space<hbm>> -> memref<1x20x32xf32, #tpu.memory_space<hbm>>
        %dma_wait3A_667 = tpu.memref_squeeze %dma_wait3A_666 : memref<1x20x32xf32, #tpu.memory_space<hbm>> -> memref<20x32xf32, #tpu.memory_space<hbm>>
        %dma_wait3A_668 = arith.constant 20 : i32
        %dma_wait3A_669 = arith.constant 0 : i32
        %dma_wait3A_670 = tpu.memref_slice %arg8[%dma_wait3A_668, %dma_wait3A_669] : memref<80x32xf32, #tpu.memory_space<vmem>> -> memref<20x32xf32, #tpu.memory_space<vmem>>
        tpu.wait_dma2 semaphore(%arg16 : memref<!tpu.dma_semaphore, #tpu.memory_space<semaphore_mem>>) src(%dma_wait3A_670 : memref<20x32xf32, #tpu.memory_space<vmem>>) dst(%dma_wait3A_667 : memref<20x32xf32, #tpu.memory_space<hbm>>)
        %add3A_671 = arith.constant 2 : i32
        %add3A_672 = arith.addi %add3A_638, %add3A_671 : i32
        %dma_wait3A_673 = arith.constant 40 : i32
        %dma_wait3A_674 = arith.constant 0 : i32
        %dma_wait3A_675 = tpu.memref_slice %arg8[%dma_wait3A_673, %dma_wait3A_674] : memref<80x32xf32, #tpu.memory_space<vmem>> -> memref<20x32xf32, #tpu.memory_space<vmem>>
        %dma_wait3A_676 = arith.constant 0 : i32
        %dma_wait3A_677 = arith.constant 0 : i32
        %dma_wait3A_678 = tpu.memref_slice %arg4[%add3A_672, %dma_wait3A_676, %dma_wait3A_677] : memref<16384x20x32xf32, #tpu.memory_space<hbm>> -> memref<1x20x32xf32, #tpu.memory_space<hbm>>
        %dma_wait3A_679 = tpu.memref_squeeze %dma_wait3A_678 : memref<1x20x32xf32, #tpu.memory_space<hbm>> -> memref<20x32xf32, #tpu.memory_space<hbm>>
        %dma_wait3A_680 = arith.constant 0 : i32
        %dma_wait3A_681 = arith.constant 0 : i32
        %dma_wait3A_682 = tpu.memref_slice %arg4[%add3A_672, %dma_wait3A_680, %dma_wait3A_681] : memref<16384x20x32xf32, #tpu.memory_space<hbm>> -> memref<1x20x32xf32, #tpu.memory_space<hbm>>
        %dma_wait3A_683 = tpu.memref_squeeze %dma_wait3A_682 : memref<1x20x32xf32, #tpu.memory_space<hbm>> -> memref<20x32xf32, #tpu.memory_space<hbm>>
        %dma_wait3A_684 = arith.constant 40 : i32
        %dma_wait3A_685 = arith.constant 0 : i32
        %dma_wait3A_686 = tpu.memref_slice %arg8[%dma_wait3A_684, %dma_wait3A_685] : memref<80x32xf32, #tpu.memory_space<vmem>> -> memref<20x32xf32, #tpu.memory_space<vmem>>
        tpu.wait_dma2 semaphore(%arg16 : memref<!tpu.dma_semaphore, #tpu.memory_space<semaphore_mem>>) src(%dma_wait3A_686 : memref<20x32xf32, #tpu.memory_space<vmem>>) dst(%dma_wait3A_683 : memref<20x32xf32, #tpu.memory_space<hbm>>)
        %add3A_687 = arith.constant 3 : i32
        %add3A_688 = arith.addi %add3A_638, %add3A_687 : i32
        %dma_wait3A_689 = arith.constant 60 : i32
        %dma_wait3A_690 = arith.constant 0 : i32
        %dma_wait3A_691 = tpu.memref_slice %arg8[%dma_wait3A_689, %dma_wait3A_690] : memref<80x32xf32, #tpu.memory_space<vmem>> -> memref<20x32xf32, #tpu.memory_space<vmem>>
        %dma_wait3A_692 = arith.constant 0 : i32
        %dma_wait3A_693 = arith.constant 0 : i32
        %dma_wait3A_694 = tpu.memref_slice %arg4[%add3A_688, %dma_wait3A_692, %dma_wait3A_693] : memref<16384x20x32xf32, #tpu.memory_space<hbm>> -> memref<1x20x32xf32, #tpu.memory_space<hbm>>
        %dma_wait3A_695 = tpu.memref_squeeze %dma_wait3A_694 : memref<1x20x32xf32, #tpu.memory_space<hbm>> -> memref<20x32xf32, #tpu.memory_space<hbm>>
        %dma_wait3A_696 = arith.constant 0 : i32
        %dma_wait3A_697 = arith.constant 0 : i32
        %dma_wait3A_698 = tpu.memref_slice %arg4[%add3A_688, %dma_wait3A_696, %dma_wait3A_697] : memref<16384x20x32xf32, #tpu.memory_space<hbm>> -> memref<1x20x32xf32, #tpu.memory_space<hbm>>
        %dma_wait3A_699 = tpu.memref_squeeze %dma_wait3A_698 : memref<1x20x32xf32, #tpu.memory_space<hbm>> -> memref<20x32xf32, #tpu.memory_space<hbm>>
        %dma_wait3A_700 = arith.constant 60 : i32
        %dma_wait3A_701 = arith.constant 0 : i32
        %dma_wait3A_702 = tpu.memref_slice %arg8[%dma_wait3A_700, %dma_wait3A_701] : memref<80x32xf32, #tpu.memory_space<vmem>> -> memref<20x32xf32, #tpu.memory_space<vmem>>
        tpu.wait_dma2 semaphore(%arg16 : memref<!tpu.dma_semaphore, #tpu.memory_space<semaphore_mem>>) src(%dma_wait3A_702 : memref<20x32xf32, #tpu.memory_space<vmem>>) dst(%dma_wait3A_699 : memref<20x32xf32, #tpu.memory_space<hbm>>)
        %add3A_703 = arith.constant 4 : i32
        %add3A_704 = arith.addi %add3A_473, %add3A_703 : i32
        %mul3A_705 = arith.constant 80 : i32
        %mul3A_706 = arith.muli %add3A_704, %mul3A_705 : i32
        %dma_start3A_707 = tpu.memref_slice %arg5[%mul3A_706] : memref<10240xi32, #tpu.memory_space<vmem>> -> memref<80xi32, #tpu.memory_space<vmem>>
        %dma_start3A_708 = arith.constant 0 : i32
        %dma_start3A_709 = arith.constant 0 : i32
        %dma_start3A_710 = tpu.memref_slice %arg3[%dma_start3A_708, %dma_start3A_709] : memref<1000000x32xf32, #tpu.memory_space<hbm>> -> memref<1000000x32xf32, #tpu.memory_space<hbm>>
        tpu.enqueue_indirect_dma source(%dma_start3A_710 : memref<1000000x32xf32, #tpu.memory_space<hbm>>) target(%arg8 : memref<80x32xf32, #tpu.memory_space<vmem>>) offsets(%dma_start3A_707 : memref<80xi32, #tpu.memory_space<vmem>>) semaphore(%arg12 : memref<!tpu.dma_semaphore, #tpu.memory_space<semaphore_mem>>)
      } else {
      }
      %mul3A_553 = arith.constant 4 : i32
      %mul3A_554 = arith.muli %scan3A_306, %mul3A_553 : i32
      %add3A_555 = arith.constant 3 : i32
      %add3A_556 = arith.addi %mul3A_554, %add3A_555 : i32
      %dma_wait3A_557 = arith.constant 0 : i32
      %dma_wait3A_558 = tpu.memref_slice %arg5[%dma_wait3A_557] : memref<10240xi32, #tpu.memory_space<vmem>> -> memref<80xi32, #tpu.memory_space<vmem>>
      %dma_wait3A_559 = arith.constant 0 : i32
      %dma_wait3A_560 = arith.constant 0 : i32
      %dma_wait3A_561 = tpu.memref_slice %arg3[%dma_wait3A_559, %dma_wait3A_560] : memref<1000000x32xf32, #tpu.memory_space<hbm>> -> memref<1000000x32xf32, #tpu.memory_space<hbm>>
      tpu.wait_indirect_dma semaphore(%arg13 : memref<!tpu.dma_semaphore, #tpu.memory_space<semaphore_mem>>) src(%dma_wait3A_561 : memref<1000000x32xf32, #tpu.memory_space<hbm>>) dst(%arg9 : memref<80x32xf32, #tpu.memory_space<vmem>>)
      %mul3A_562 = arith.constant 4 : i32
      %mul3A_563 = arith.muli %add3A_556, %mul3A_562 : i32
      %add3A_564 = arith.addi %select_n3A, %mul3A_563 : i32
      %add3A_565 = arith.constant 0 : i32
      %add3A_566 = arith.addi %add3A_564, %add3A_565 : i32
      %dma_start3A_567 = arith.constant 0 : i32
      %dma_start3A_568 = arith.constant 0 : i32
      %dma_start3A_569 = tpu.memref_slice %arg9[%dma_start3A_567, %dma_start3A_568] : memref<80x32xf32, #tpu.memory_space<vmem>> -> memref<20x32xf32, #tpu.memory_space<vmem>>
      %dma_start3A_570 = arith.constant 0 : i32
      %dma_start3A_571 = arith.constant 0 : i32
      %dma_start3A_572 = tpu.memref_slice %arg4[%add3A_566, %dma_start3A_570, %dma_start3A_571] : memref<16384x20x32xf32, #tpu.memory_space<hbm>> -> memref<1x20x32xf32, #tpu.memory_space<hbm>>
      %dma_start3A_573 = tpu.memref_squeeze %dma_start3A_572 : memref<1x20x32xf32, #tpu.memory_space<hbm>> -> memref<20x32xf32, #tpu.memory_space<hbm>>
      %dma_start3A_574 = arith.constant 0 : i32
      %dma_start3A_575 = arith.constant 0 : i32
      %dma_start3A_576 = tpu.memref_slice %arg4[%add3A_566, %dma_start3A_574, %dma_start3A_575] : memref<16384x20x32xf32, #tpu.memory_space<hbm>> -> memref<1x20x32xf32, #tpu.memory_space<hbm>>
      %dma_start3A_577 = tpu.memref_squeeze %dma_start3A_576 : memref<1x20x32xf32, #tpu.memory_space<hbm>> -> memref<20x32xf32, #tpu.memory_space<hbm>>
      %dma_start3A_578 = arith.constant 0 : i32
      %dma_start3A_579 = arith.constant 0 : i32
      %dma_start3A_580 = tpu.memref_slice %arg9[%dma_start3A_578, %dma_start3A_579] : memref<80x32xf32, #tpu.memory_space<vmem>> -> memref<20x32xf32, #tpu.memory_space<vmem>>
      tpu.enqueue_dma source(%dma_start3A_580 : memref<20x32xf32, #tpu.memory_space<vmem>>) target(%dma_start3A_577 : memref<20x32xf32, #tpu.memory_space<hbm>>) target_semaphore(%arg17 : memref<!tpu.dma_semaphore, #tpu.memory_space<semaphore_mem>>)
      %add3A_581 = arith.constant 1 : i32
      %add3A_582 = arith.addi %add3A_564, %add3A_581 : i32
      %dma_start3A_583 = arith.constant 20 : i32
      %dma_start3A_584 = arith.constant 0 : i32
      %dma_start3A_585 = tpu.memref_slice %arg9[%dma_start3A_583, %dma_start3A_584] : memref<80x32xf32, #tpu.memory_space<vmem>> -> memref<20x32xf32, #tpu.memory_space<vmem>>
      %dma_start3A_586 = arith.constant 0 : i32
      %dma_start3A_587 = arith.constant 0 : i32
      %dma_start3A_588 = tpu.memref_slice %arg4[%add3A_582, %dma_start3A_586, %dma_start3A_587] : memref<16384x20x32xf32, #tpu.memory_space<hbm>> -> memref<1x20x32xf32, #tpu.memory_space<hbm>>
      %dma_start3A_589 = tpu.memref_squeeze %dma_start3A_588 : memref<1x20x32xf32, #tpu.memory_space<hbm>> -> memref<20x32xf32, #tpu.memory_space<hbm>>
      %dma_start3A_590 = arith.constant 0 : i32
      %dma_start3A_591 = arith.constant 0 : i32
      %dma_start3A_592 = tpu.memref_slice %arg4[%add3A_582, %dma_start3A_590, %dma_start3A_591] : memref<16384x20x32xf32, #tpu.memory_space<hbm>> -> memref<1x20x32xf32, #tpu.memory_space<hbm>>
      %dma_start3A_593 = tpu.memref_squeeze %dma_start3A_592 : memref<1x20x32xf32, #tpu.memory_space<hbm>> -> memref<20x32xf32, #tpu.memory_space<hbm>>
      %dma_start3A_594 = arith.constant 20 : i32
      %dma_start3A_595 = arith.constant 0 : i32
      %dma_start3A_596 = tpu.memref_slice %arg9[%dma_start3A_594, %dma_start3A_595] : memref<80x32xf32, #tpu.memory_space<vmem>> -> memref<20x32xf32, #tpu.memory_space<vmem>>
      tpu.enqueue_dma source(%dma_start3A_596 : memref<20x32xf32, #tpu.memory_space<vmem>>) target(%dma_start3A_593 : memref<20x32xf32, #tpu.memory_space<hbm>>) target_semaphore(%arg17 : memref<!tpu.dma_semaphore, #tpu.memory_space<semaphore_mem>>)
      %add3A_597 = arith.constant 2 : i32
      %add3A_598 = arith.addi %add3A_564, %add3A_597 : i32
      %dma_start3A_599 = arith.constant 40 : i32
      %dma_start3A_600 = arith.constant 0 : i32
      %dma_start3A_601 = tpu.memref_slice %arg9[%dma_start3A_599, %dma_start3A_600] : memref<80x32xf32, #tpu.memory_space<vmem>> -> memref<20x32xf32, #tpu.memory_space<vmem>>
      %dma_start3A_602 = arith.constant 0 : i32
      %dma_start3A_603 = arith.constant 0 : i32
      %dma_start3A_604 = tpu.memref_slice %arg4[%add3A_598, %dma_start3A_602, %dma_start3A_603] : memref<16384x20x32xf32, #tpu.memory_space<hbm>> -> memref<1x20x32xf32, #tpu.memory_space<hbm>>
      %dma_start3A_605 = tpu.memref_squeeze %dma_start3A_604 : memref<1x20x32xf32, #tpu.memory_space<hbm>> -> memref<20x32xf32, #tpu.memory_space<hbm>>
      %dma_start3A_606 = arith.constant 0 : i32
      %dma_start3A_607 = arith.constant 0 : i32
      %dma_start3A_608 = tpu.memref_slice %arg4[%add3A_598, %dma_start3A_606, %dma_start3A_607] : memref<16384x20x32xf32, #tpu.memory_space<hbm>> -> memref<1x20x32xf32, #tpu.memory_space<hbm>>
      %dma_start3A_609 = tpu.memref_squeeze %dma_start3A_608 : memref<1x20x32xf32, #tpu.memory_space<hbm>> -> memref<20x32xf32, #tpu.memory_space<hbm>>
      %dma_start3A_610 = arith.constant 40 : i32
      %dma_start3A_611 = arith.constant 0 : i32
      %dma_start3A_612 = tpu.memref_slice %arg9[%dma_start3A_610, %dma_start3A_611] : memref<80x32xf32, #tpu.memory_space<vmem>> -> memref<20x32xf32, #tpu.memory_space<vmem>>
      tpu.enqueue_dma source(%dma_start3A_612 : memref<20x32xf32, #tpu.memory_space<vmem>>) target(%dma_start3A_609 : memref<20x32xf32, #tpu.memory_space<hbm>>) target_semaphore(%arg17 : memref<!tpu.dma_semaphore, #tpu.memory_space<semaphore_mem>>)
      %add3A_613 = arith.constant 3 : i32
      %add3A_614 = arith.addi %add3A_564, %add3A_613 : i32
      %dma_start3A_615 = arith.constant 60 : i32
      %dma_start3A_616 = arith.constant 0 : i32
      %dma_start3A_617 = tpu.memref_slice %arg9[%dma_start3A_615, %dma_start3A_616] : memref<80x32xf32, #tpu.memory_space<vmem>> -> memref<20x32xf32, #tpu.memory_space<vmem>>
      %dma_start3A_618 = arith.constant 0 : i32
      %dma_start3A_619 = arith.constant 0 : i32
      %dma_start3A_620 = tpu.memref_slice %arg4[%add3A_614, %dma_start3A_618, %dma_start3A_619] : memref<16384x20x32xf32, #tpu.memory_space<hbm>> -> memref<1x20x32xf32, #tpu.memory_space<hbm>>
      %dma_start3A_621 = tpu.memref_squeeze %dma_start3A_620 : memref<1x20x32xf32, #tpu.memory_space<hbm>> -> memref<20x32xf32, #tpu.memory_space<hbm>>
      %dma_start3A_622 = arith.constant 0 : i32
      %dma_start3A_623 = arith.constant 0 : i32
      %dma_start3A_624 = tpu.memref_slice %arg4[%add3A_614, %dma_start3A_622, %dma_start3A_623] : memref<16384x20x32xf32, #tpu.memory_space<hbm>> -> memref<1x20x32xf32, #tpu.memory_space<hbm>>
      %dma_start3A_625 = tpu.memref_squeeze %dma_start3A_624 : memref<1x20x32xf32, #tpu.memory_space<hbm>> -> memref<20x32xf32, #tpu.memory_space<hbm>>
      %dma_start3A_626 = arith.constant 60 : i32
      %dma_start3A_627 = arith.constant 0 : i32
      %dma_start3A_628 = tpu.memref_slice %arg9[%dma_start3A_626, %dma_start3A_627] : memref<80x32xf32, #tpu.memory_space<vmem>> -> memref<20x32xf32, #tpu.memory_space<vmem>>
      tpu.enqueue_dma source(%dma_start3A_628 : memref<20x32xf32, #tpu.memory_space<vmem>>) target(%dma_start3A_625 : memref<20x32xf32, #tpu.memory_space<hbm>>) target_semaphore(%arg17 : memref<!tpu.dma_semaphore, #tpu.memory_space<semaphore_mem>>)
      %add3A_629 = arith.constant 4 : i32
      %add3A_630 = arith.addi %add3A_556, %add3A_629 : i32
      %lt3A_631 = arith.constant 128 : i32
      %lt3A_632 = arith.cmpi slt, %add3A_630, %lt3A_631 : i32
      %convert_element_type3A_633 = arith.extui %lt3A_632 : i1 to i32
      %cond3A_634 = arith.constant 0 : i32
      %cond3A_635 = arith.cmpi ne, %convert_element_type3A_633, %cond3A_634 : i32
      scf.if %cond3A_635 {
        %mul3A_636 = arith.constant 4 : i32
        %mul3A_637 = arith.muli %add3A_556, %mul3A_636 : i32
        %add3A_638 = arith.addi %select_n3A, %mul3A_637 : i32
        %add3A_639 = arith.constant 0 : i32
        %add3A_640 = arith.addi %add3A_638, %add3A_639 : i32
        %dma_wait3A_641 = arith.constant 0 : i32
        %dma_wait3A_642 = arith.constant 0 : i32
        %dma_wait3A_643 = tpu.memref_slice %arg9[%dma_wait3A_641, %dma_wait3A_642] : memref<80x32xf32, #tpu.memory_space<vmem>> -> memref<20x32xf32, #tpu.memory_space<vmem>>
        %dma_wait3A_644 = arith.constant 0 : i32
        %dma_wait3A_645 = arith.constant 0 : i32
        %dma_wait3A_646 = tpu.memref_slice %arg4[%add3A_640, %dma_wait3A_644, %dma_wait3A_645] : memref<16384x20x32xf32, #tpu.memory_space<hbm>> -> memref<1x20x32xf32, #tpu.memory_space<hbm>>
        %dma_wait3A_647 = tpu.memref_squeeze %dma_wait3A_646 : memref<1x20x32xf32, #tpu.memory_space<hbm>> -> memref<20x32xf32, #tpu.memory_space<hbm>>
        %dma_wait3A_648 = arith.constant 0 : i32
        %dma_wait3A_649 = arith.constant 0 : i32
        %dma_wait3A_650 = tpu.memref_slice %arg4[%add3A_640, %dma_wait3A_648, %dma_wait3A_649] : memref<16384x20x32xf32, #tpu.memory_space<hbm>> -> memref<1x20x32xf32, #tpu.memory_space<hbm>>
        %dma_wait3A_651 = tpu.memref_squeeze %dma_wait3A_650 : memref<1x20x32xf32, #tpu.memory_space<hbm>> -> memref<20x32xf32, #tpu.memory_space<hbm>>
        %dma_wait3A_652 = arith.constant 0 : i32
        %dma_wait3A_653 = arith.constant 0 : i32
        %dma_wait3A_654 = tpu.memref_slice %arg9[%dma_wait3A_652, %dma_wait3A_653] : memref<80x32xf32, #tpu.memory_space<vmem>> -> memref<20x32xf32, #tpu.memory_space<vmem>>
        tpu.wait_dma2 semaphore(%arg17 : memref<!tpu.dma_semaphore, #tpu.memory_space<semaphore_mem>>) src(%dma_wait3A_654 : memref<20x32xf32, #tpu.memory_space<vmem>>) dst(%dma_wait3A_651 : memref<20x32xf32, #tpu.memory_space<hbm>>)
        %add3A_655 = arith.constant 1 : i32
        %add3A_656 = arith.addi %add3A_638, %add3A_655 : i32
        %dma_wait3A_657 = arith.constant 20 : i32
        %dma_wait3A_658 = arith.constant 0 : i32
        %dma_wait3A_659 = tpu.memref_slice %arg9[%dma_wait3A_657, %dma_wait3A_658] : memref<80x32xf32, #tpu.memory_space<vmem>> -> memref<20x32xf32, #tpu.memory_space<vmem>>
        %dma_wait3A_660 = arith.constant 0 : i32
        %dma_wait3A_661 = arith.constant 0 : i32
        %dma_wait3A_662 = tpu.memref_slice %arg4[%add3A_656, %dma_wait3A_660, %dma_wait3A_661] : memref<16384x20x32xf32, #tpu.memory_space<hbm>> -> memref<1x20x32xf32, #tpu.memory_space<hbm>>
        %dma_wait3A_663 = tpu.memref_squeeze %dma_wait3A_662 : memref<1x20x32xf32, #tpu.memory_space<hbm>> -> memref<20x32xf32, #tpu.memory_space<hbm>>
        %dma_wait3A_664 = arith.constant 0 : i32
        %dma_wait3A_665 = arith.constant 0 : i32
        %dma_wait3A_666 = tpu.memref_slice %arg4[%add3A_656, %dma_wait3A_664, %dma_wait3A_665] : memref<16384x20x32xf32, #tpu.memory_space<hbm>> -> memref<1x20x32xf32, #tpu.memory_space<hbm>>
        %dma_wait3A_667 = tpu.memref_squeeze %dma_wait3A_666 : memref<1x20x32xf32, #tpu.memory_space<hbm>> -> memref<20x32xf32, #tpu.memory_space<hbm>>
        %dma_wait3A_668 = arith.constant 20 : i32
        %dma_wait3A_669 = arith.constant 0 : i32
        %dma_wait3A_670 = tpu.memref_slice %arg9[%dma_wait3A_668, %dma_wait3A_669] : memref<80x32xf32, #tpu.memory_space<vmem>> -> memref<20x32xf32, #tpu.memory_space<vmem>>
        tpu.wait_dma2 semaphore(%arg17 : memref<!tpu.dma_semaphore, #tpu.memory_space<semaphore_mem>>) src(%dma_wait3A_670 : memref<20x32xf32, #tpu.memory_space<vmem>>) dst(%dma_wait3A_667 : memref<20x32xf32, #tpu.memory_space<hbm>>)
        %add3A_671 = arith.constant 2 : i32
        %add3A_672 = arith.addi %add3A_638, %add3A_671 : i32
        %dma_wait3A_673 = arith.constant 40 : i32
        %dma_wait3A_674 = arith.constant 0 : i32
        %dma_wait3A_675 = tpu.memref_slice %arg9[%dma_wait3A_673, %dma_wait3A_674] : memref<80x32xf32, #tpu.memory_space<vmem>> -> memref<20x32xf32, #tpu.memory_space<vmem>>
        %dma_wait3A_676 = arith.constant 0 : i32
        %dma_wait3A_677 = arith.constant 0 : i32
        %dma_wait3A_678 = tpu.memref_slice %arg4[%add3A_672, %dma_wait3A_676, %dma_wait3A_677] : memref<16384x20x32xf32, #tpu.memory_space<hbm>> -> memref<1x20x32xf32, #tpu.memory_space<hbm>>
        %dma_wait3A_679 = tpu.memref_squeeze %dma_wait3A_678 : memref<1x20x32xf32, #tpu.memory_space<hbm>> -> memref<20x32xf32, #tpu.memory_space<hbm>>
        %dma_wait3A_680 = arith.constant 0 : i32
        %dma_wait3A_681 = arith.constant 0 : i32
        %dma_wait3A_682 = tpu.memref_slice %arg4[%add3A_672, %dma_wait3A_680, %dma_wait3A_681] : memref<16384x20x32xf32, #tpu.memory_space<hbm>> -> memref<1x20x32xf32, #tpu.memory_space<hbm>>
        %dma_wait3A_683 = tpu.memref_squeeze %dma_wait3A_682 : memref<1x20x32xf32, #tpu.memory_space<hbm>> -> memref<20x32xf32, #tpu.memory_space<hbm>>
        %dma_wait3A_684 = arith.constant 40 : i32
        %dma_wait3A_685 = arith.constant 0 : i32
        %dma_wait3A_686 = tpu.memref_slice %arg9[%dma_wait3A_684, %dma_wait3A_685] : memref<80x32xf32, #tpu.memory_space<vmem>> -> memref<20x32xf32, #tpu.memory_space<vmem>>
        tpu.wait_dma2 semaphore(%arg17 : memref<!tpu.dma_semaphore, #tpu.memory_space<semaphore_mem>>) src(%dma_wait3A_686 : memref<20x32xf32, #tpu.memory_space<vmem>>) dst(%dma_wait3A_683 : memref<20x32xf32, #tpu.memory_space<hbm>>)
        %add3A_687 = arith.constant 3 : i32
        %add3A_688 = arith.addi %add3A_638, %add3A_687 : i32
        %dma_wait3A_689 = arith.constant 60 : i32
        %dma_wait3A_690 = arith.constant 0 : i32
        %dma_wait3A_691 = tpu.memref_slice %arg9[%dma_wait3A_689, %dma_wait3A_690] : memref<80x32xf32, #tpu.memory_space<vmem>> -> memref<20x32xf32, #tpu.memory_space<vmem>>
        %dma_wait3A_692 = arith.constant 0 : i32
        %dma_wait3A_693 = arith.constant 0 : i32
        %dma_wait3A_694 = tpu.memref_slice %arg4[%add3A_688, %dma_wait3A_692, %dma_wait3A_693] : memref<16384x20x32xf32, #tpu.memory_space<hbm>> -> memref<1x20x32xf32, #tpu.memory_space<hbm>>
        %dma_wait3A_695 = tpu.memref_squeeze %dma_wait3A_694 : memref<1x20x32xf32, #tpu.memory_space<hbm>> -> memref<20x32xf32, #tpu.memory_space<hbm>>
        %dma_wait3A_696 = arith.constant 0 : i32
        %dma_wait3A_697 = arith.constant 0 : i32
        %dma_wait3A_698 = tpu.memref_slice %arg4[%add3A_688, %dma_wait3A_696, %dma_wait3A_697] : memref<16384x20x32xf32, #tpu.memory_space<hbm>> -> memref<1x20x32xf32, #tpu.memory_space<hbm>>
        %dma_wait3A_699 = tpu.memref_squeeze %dma_wait3A_698 : memref<1x20x32xf32, #tpu.memory_space<hbm>> -> memref<20x32xf32, #tpu.memory_space<hbm>>
        %dma_wait3A_700 = arith.constant 60 : i32
        %dma_wait3A_701 = arith.constant 0 : i32
        %dma_wait3A_702 = tpu.memref_slice %arg9[%dma_wait3A_700, %dma_wait3A_701] : memref<80x32xf32, #tpu.memory_space<vmem>> -> memref<20x32xf32, #tpu.memory_space<vmem>>
        tpu.wait_dma2 semaphore(%arg17 : memref<!tpu.dma_semaphore, #tpu.memory_space<semaphore_mem>>) src(%dma_wait3A_702 : memref<20x32xf32, #tpu.memory_space<vmem>>) dst(%dma_wait3A_699 : memref<20x32xf32, #tpu.memory_space<hbm>>)
        %add3A_703 = arith.constant 4 : i32
        %add3A_704 = arith.addi %add3A_556, %add3A_703 : i32
        %mul3A_705 = arith.constant 80 : i32
        %mul3A_706 = arith.muli %add3A_704, %mul3A_705 : i32
        %dma_start3A_707 = tpu.memref_slice %arg5[%mul3A_706] : memref<10240xi32, #tpu.memory_space<vmem>> -> memref<80xi32, #tpu.memory_space<vmem>>
        %dma_start3A_708 = arith.constant 0 : i32
        %dma_start3A_709 = arith.constant 0 : i32
        %dma_start3A_710 = tpu.memref_slice %arg3[%dma_start3A_708, %dma_start3A_709] : memref<1000000x32xf32, #tpu.memory_space<hbm>> -> memref<1000000x32xf32, #tpu.memory_space<hbm>>
        tpu.enqueue_indirect_dma source(%dma_start3A_710 : memref<1000000x32xf32, #tpu.memory_space<hbm>>) target(%arg9 : memref<80x32xf32, #tpu.memory_space<vmem>>) offsets(%dma_start3A_707 : memref<80xi32, #tpu.memory_space<vmem>>) semaphore(%arg13 : memref<!tpu.dma_semaphore, #tpu.memory_space<semaphore_mem>>)
      } else {
      }
    }
    %scan3A_42 = arith.constant 32 : i32
    %add3A_43 = arith.constant 496 : i32
    %add3A_44 = arith.addi %select_n3A, %add3A_43 : i32
    %add3A_45 = arith.constant 0 : i32
    %add3A_46 = arith.addi %add3A_44, %add3A_45 : i32
    %dma_wait3A = arith.constant 0 : i32
    %dma_wait3A_47 = arith.constant 0 : i32
    %dma_wait3A_48 = tpu.memref_slice %arg6[%dma_wait3A, %dma_wait3A_47] : memref<80x32xf32, #tpu.memory_space<vmem>> -> memref<20x32xf32, #tpu.memory_space<vmem>>
    %dma_wait3A_49 = arith.constant 0 : i32
    %dma_wait3A_50 = arith.constant 0 : i32
    %dma_wait3A_51 = tpu.memref_slice %arg4[%add3A_46, %dma_wait3A_49, %dma_wait3A_50] : memref<16384x20x32xf32, #tpu.memory_space<hbm>> -> memref<1x20x32xf32, #tpu.memory_space<hbm>>
    %dma_wait3A_52 = tpu.memref_squeeze %dma_wait3A_51 : memref<1x20x32xf32, #tpu.memory_space<hbm>> -> memref<20x32xf32, #tpu.memory_space<hbm>>
    %dma_wait3A_53 = arith.constant 0 : i32
    %dma_wait3A_54 = arith.constant 0 : i32
    %dma_wait3A_55 = tpu.memref_slice %arg4[%add3A_46, %dma_wait3A_53, %dma_wait3A_54] : memref<16384x20x32xf32, #tpu.memory_space<hbm>> -> memref<1x20x32xf32, #tpu.memory_space<hbm>>
    %dma_wait3A_56 = tpu.memref_squeeze %dma_wait3A_55 : memref<1x20x32xf32, #tpu.memory_space<hbm>> -> memref<20x32xf32, #tpu.memory_space<hbm>>
    %dma_wait3A_57 = arith.constant 0 : i32
    %dma_wait3A_58 = arith.constant 0 : i32
    %dma_wait3A_59 = tpu.memref_slice %arg6[%dma_wait3A_57, %dma_wait3A_58] : memref<80x32xf32, #tpu.memory_space<vmem>> -> memref<20x32xf32, #tpu.memory_space<vmem>>
    tpu.wait_dma2 semaphore(%arg14 : memref<!tpu.dma_semaphore, #tpu.memory_space<semaphore_mem>>) src(%dma_wait3A_59 : memref<20x32xf32, #tpu.memory_space<vmem>>) dst(%dma_wait3A_56 : memref<20x32xf32, #tpu.memory_space<hbm>>)
    %add3A_60 = arith.constant 1 : i32
    %add3A_61 = arith.addi %add3A_44, %add3A_60 : i32
    %dma_wait3A_62 = arith.constant 20 : i32
    %dma_wait3A_63 = arith.constant 0 : i32
    %dma_wait3A_64 = tpu.memref_slice %arg6[%dma_wait3A_62, %dma_wait3A_63] : memref<80x32xf32, #tpu.memory_space<vmem>> -> memref<20x32xf32, #tpu.memory_space<vmem>>
    %dma_wait3A_65 = arith.constant 0 : i32
    %dma_wait3A_66 = arith.constant 0 : i32
    %dma_wait3A_67 = tpu.memref_slice %arg4[%add3A_61, %dma_wait3A_65, %dma_wait3A_66] : memref<16384x20x32xf32, #tpu.memory_space<hbm>> -> memref<1x20x32xf32, #tpu.memory_space<hbm>>
    %dma_wait3A_68 = tpu.memref_squeeze %dma_wait3A_67 : memref<1x20x32xf32, #tpu.memory_space<hbm>> -> memref<20x32xf32, #tpu.memory_space<hbm>>
    %dma_wait3A_69 = arith.constant 0 : i32
    %dma_wait3A_70 = arith.constant 0 : i32
    %dma_wait3A_71 = tpu.memref_slice %arg4[%add3A_61, %dma_wait3A_69, %dma_wait3A_70] : memref<16384x20x32xf32, #tpu.memory_space<hbm>> -> memref<1x20x32xf32, #tpu.memory_space<hbm>>
    %dma_wait3A_72 = tpu.memref_squeeze %dma_wait3A_71 : memref<1x20x32xf32, #tpu.memory_space<hbm>> -> memref<20x32xf32, #tpu.memory_space<hbm>>
    %dma_wait3A_73 = arith.constant 20 : i32
    %dma_wait3A_74 = arith.constant 0 : i32
    %dma_wait3A_75 = tpu.memref_slice %arg6[%dma_wait3A_73, %dma_wait3A_74] : memref<80x32xf32, #tpu.memory_space<vmem>> -> memref<20x32xf32, #tpu.memory_space<vmem>>
    tpu.wait_dma2 semaphore(%arg14 : memref<!tpu.dma_semaphore, #tpu.memory_space<semaphore_mem>>) src(%dma_wait3A_75 : memref<20x32xf32, #tpu.memory_space<vmem>>) dst(%dma_wait3A_72 : memref<20x32xf32, #tpu.memory_space<hbm>>)
    %add3A_76 = arith.constant 2 : i32
    %add3A_77 = arith.addi %add3A_44, %add3A_76 : i32
    %dma_wait3A_78 = arith.constant 40 : i32
    %dma_wait3A_79 = arith.constant 0 : i32
    %dma_wait3A_80 = tpu.memref_slice %arg6[%dma_wait3A_78, %dma_wait3A_79] : memref<80x32xf32, #tpu.memory_space<vmem>> -> memref<20x32xf32, #tpu.memory_space<vmem>>
    %dma_wait3A_81 = arith.constant 0 : i32
    %dma_wait3A_82 = arith.constant 0 : i32
    %dma_wait3A_83 = tpu.memref_slice %arg4[%add3A_77, %dma_wait3A_81, %dma_wait3A_82] : memref<16384x20x32xf32, #tpu.memory_space<hbm>> -> memref<1x20x32xf32, #tpu.memory_space<hbm>>
    %dma_wait3A_84 = tpu.memref_squeeze %dma_wait3A_83 : memref<1x20x32xf32, #tpu.memory_space<hbm>> -> memref<20x32xf32, #tpu.memory_space<hbm>>
    %dma_wait3A_85 = arith.constant 0 : i32
    %dma_wait3A_86 = arith.constant 0 : i32
    %dma_wait3A_87 = tpu.memref_slice %arg4[%add3A_77, %dma_wait3A_85, %dma_wait3A_86] : memref<16384x20x32xf32, #tpu.memory_space<hbm>> -> memref<1x20x32xf32, #tpu.memory_space<hbm>>
    %dma_wait3A_88 = tpu.memref_squeeze %dma_wait3A_87 : memref<1x20x32xf32, #tpu.memory_space<hbm>> -> memref<20x32xf32, #tpu.memory_space<hbm>>
    %dma_wait3A_89 = arith.constant 40 : i32
    %dma_wait3A_90 = arith.constant 0 : i32
    %dma_wait3A_91 = tpu.memref_slice %arg6[%dma_wait3A_89, %dma_wait3A_90] : memref<80x32xf32, #tpu.memory_space<vmem>> -> memref<20x32xf32, #tpu.memory_space<vmem>>
    tpu.wait_dma2 semaphore(%arg14 : memref<!tpu.dma_semaphore, #tpu.memory_space<semaphore_mem>>) src(%dma_wait3A_91 : memref<20x32xf32, #tpu.memory_space<vmem>>) dst(%dma_wait3A_88 : memref<20x32xf32, #tpu.memory_space<hbm>>)
    %add3A_92 = arith.constant 3 : i32
    %add3A_93 = arith.addi %add3A_44, %add3A_92 : i32
    %dma_wait3A_94 = arith.constant 60 : i32
    %dma_wait3A_95 = arith.constant 0 : i32
    %dma_wait3A_96 = tpu.memref_slice %arg6[%dma_wait3A_94, %dma_wait3A_95] : memref<80x32xf32, #tpu.memory_space<vmem>> -> memref<20x32xf32, #tpu.memory_space<vmem>>
    %dma_wait3A_97 = arith.constant 0 : i32
    %dma_wait3A_98 = arith.constant 0 : i32
    %dma_wait3A_99 = tpu.memref_slice %arg4[%add3A_93, %dma_wait3A_97, %dma_wait3A_98] : memref<16384x20x32xf32, #tpu.memory_space<hbm>> -> memref<1x20x32xf32, #tpu.memory_space<hbm>>
    %dma_wait3A_100 = tpu.memref_squeeze %dma_wait3A_99 : memref<1x20x32xf32, #tpu.memory_space<hbm>> -> memref<20x32xf32, #tpu.memory_space<hbm>>
    %dma_wait3A_101 = arith.constant 0 : i32
    %dma_wait3A_102 = arith.constant 0 : i32
    %dma_wait3A_103 = tpu.memref_slice %arg4[%add3A_93, %dma_wait3A_101, %dma_wait3A_102] : memref<16384x20x32xf32, #tpu.memory_space<hbm>> -> memref<1x20x32xf32, #tpu.memory_space<hbm>>
    %dma_wait3A_104 = tpu.memref_squeeze %dma_wait3A_103 : memref<1x20x32xf32, #tpu.memory_space<hbm>> -> memref<20x32xf32, #tpu.memory_space<hbm>>
    %dma_wait3A_105 = arith.constant 60 : i32
    %dma_wait3A_106 = arith.constant 0 : i32
    %dma_wait3A_107 = tpu.memref_slice %arg6[%dma_wait3A_105, %dma_wait3A_106] : memref<80x32xf32, #tpu.memory_space<vmem>> -> memref<20x32xf32, #tpu.memory_space<vmem>>
    tpu.wait_dma2 semaphore(%arg14 : memref<!tpu.dma_semaphore, #tpu.memory_space<semaphore_mem>>) src(%dma_wait3A_107 : memref<20x32xf32, #tpu.memory_space<vmem>>) dst(%dma_wait3A_104 : memref<20x32xf32, #tpu.memory_space<hbm>>)
    %add3A_108 = arith.constant 500 : i32
    %add3A_109 = arith.addi %select_n3A, %add3A_108 : i32
    %add3A_110 = arith.constant 0 : i32
    %add3A_111 = arith.addi %add3A_109, %add3A_110 : i32
    %dma_wait3A_112 = arith.constant 0 : i32
    %dma_wait3A_113 = arith.constant 0 : i32
    %dma_wait3A_114 = tpu.memref_slice %arg7[%dma_wait3A_112, %dma_wait3A_113] : memref<80x32xf32, #tpu.memory_space<vmem>> -> memref<20x32xf32, #tpu.memory_space<vmem>>
    %dma_wait3A_115 = arith.constant 0 : i32
    %dma_wait3A_116 = arith.constant 0 : i32
    %dma_wait3A_117 = tpu.memref_slice %arg4[%add3A_111, %dma_wait3A_115, %dma_wait3A_116] : memref<16384x20x32xf32, #tpu.memory_space<hbm>> -> memref<1x20x32xf32, #tpu.memory_space<hbm>>
    %dma_wait3A_118 = tpu.memref_squeeze %dma_wait3A_117 : memref<1x20x32xf32, #tpu.memory_space<hbm>> -> memref<20x32xf32, #tpu.memory_space<hbm>>
    %dma_wait3A_119 = arith.constant 0 : i32
    %dma_wait3A_120 = arith.constant 0 : i32
    %dma_wait3A_121 = tpu.memref_slice %arg4[%add3A_111, %dma_wait3A_119, %dma_wait3A_120] : memref<16384x20x32xf32, #tpu.memory_space<hbm>> -> memref<1x20x32xf32, #tpu.memory_space<hbm>>
    %dma_wait3A_122 = tpu.memref_squeeze %dma_wait3A_121 : memref<1x20x32xf32, #tpu.memory_space<hbm>> -> memref<20x32xf32, #tpu.memory_space<hbm>>
    %dma_wait3A_123 = arith.constant 0 : i32
    %dma_wait3A_124 = arith.constant 0 : i32
    %dma_wait3A_125 = tpu.memref_slice %arg7[%dma_wait3A_123, %dma_wait3A_124] : memref<80x32xf32, #tpu.memory_space<vmem>> -> memref<20x32xf32, #tpu.memory_space<vmem>>
    tpu.wait_dma2 semaphore(%arg15 : memref<!tpu.dma_semaphore, #tpu.memory_space<semaphore_mem>>) src(%dma_wait3A_125 : memref<20x32xf32, #tpu.memory_space<vmem>>) dst(%dma_wait3A_122 : memref<20x32xf32, #tpu.memory_space<hbm>>)
    %add3A_126 = arith.constant 1 : i32
    %add3A_127 = arith.addi %add3A_109, %add3A_126 : i32
    %dma_wait3A_128 = arith.constant 20 : i32
    %dma_wait3A_129 = arith.constant 0 : i32
    %dma_wait3A_130 = tpu.memref_slice %arg7[%dma_wait3A_128, %dma_wait3A_129] : memref<80x32xf32, #tpu.memory_space<vmem>> -> memref<20x32xf32, #tpu.memory_space<vmem>>
    %dma_wait3A_131 = arith.constant 0 : i32
    %dma_wait3A_132 = arith.constant 0 : i32
    %dma_wait3A_133 = tpu.memref_slice %arg4[%add3A_127, %dma_wait3A_131, %dma_wait3A_132] : memref<16384x20x32xf32, #tpu.memory_space<hbm>> -> memref<1x20x32xf32, #tpu.memory_space<hbm>>
    %dma_wait3A_134 = tpu.memref_squeeze %dma_wait3A_133 : memref<1x20x32xf32, #tpu.memory_space<hbm>> -> memref<20x32xf32, #tpu.memory_space<hbm>>
    %dma_wait3A_135 = arith.constant 0 : i32
    %dma_wait3A_136 = arith.constant 0 : i32
    %dma_wait3A_137 = tpu.memref_slice %arg4[%add3A_127, %dma_wait3A_135, %dma_wait3A_136] : memref<16384x20x32xf32, #tpu.memory_space<hbm>> -> memref<1x20x32xf32, #tpu.memory_space<hbm>>
    %dma_wait3A_138 = tpu.memref_squeeze %dma_wait3A_137 : memref<1x20x32xf32, #tpu.memory_space<hbm>> -> memref<20x32xf32, #tpu.memory_space<hbm>>
    %dma_wait3A_139 = arith.constant 20 : i32
    %dma_wait3A_140 = arith.constant 0 : i32
    %dma_wait3A_141 = tpu.memref_slice %arg7[%dma_wait3A_139, %dma_wait3A_140] : memref<80x32xf32, #tpu.memory_space<vmem>> -> memref<20x32xf32, #tpu.memory_space<vmem>>
    tpu.wait_dma2 semaphore(%arg15 : memref<!tpu.dma_semaphore, #tpu.memory_space<semaphore_mem>>) src(%dma_wait3A_141 : memref<20x32xf32, #tpu.memory_space<vmem>>) dst(%dma_wait3A_138 : memref<20x32xf32, #tpu.memory_space<hbm>>)
    %add3A_142 = arith.constant 2 : i32
    %add3A_143 = arith.addi %add3A_109, %add3A_142 : i32
    %dma_wait3A_144 = arith.constant 40 : i32
    %dma_wait3A_145 = arith.constant 0 : i32
    %dma_wait3A_146 = tpu.memref_slice %arg7[%dma_wait3A_144, %dma_wait3A_145] : memref<80x32xf32, #tpu.memory_space<vmem>> -> memref<20x32xf32, #tpu.memory_space<vmem>>
    %dma_wait3A_147 = arith.constant 0 : i32
    %dma_wait3A_148 = arith.constant 0 : i32
    %dma_wait3A_149 = tpu.memref_slice %arg4[%add3A_143, %dma_wait3A_147, %dma_wait3A_148] : memref<16384x20x32xf32, #tpu.memory_space<hbm>> -> memref<1x20x32xf32, #tpu.memory_space<hbm>>
    %dma_wait3A_150 = tpu.memref_squeeze %dma_wait3A_149 : memref<1x20x32xf32, #tpu.memory_space<hbm>> -> memref<20x32xf32, #tpu.memory_space<hbm>>
    %dma_wait3A_151 = arith.constant 0 : i32
    %dma_wait3A_152 = arith.constant 0 : i32
    %dma_wait3A_153 = tpu.memref_slice %arg4[%add3A_143, %dma_wait3A_151, %dma_wait3A_152] : memref<16384x20x32xf32, #tpu.memory_space<hbm>> -> memref<1x20x32xf32, #tpu.memory_space<hbm>>
    %dma_wait3A_154 = tpu.memref_squeeze %dma_wait3A_153 : memref<1x20x32xf32, #tpu.memory_space<hbm>> -> memref<20x32xf32, #tpu.memory_space<hbm>>
    %dma_wait3A_155 = arith.constant 40 : i32
    %dma_wait3A_156 = arith.constant 0 : i32
    %dma_wait3A_157 = tpu.memref_slice %arg7[%dma_wait3A_155, %dma_wait3A_156] : memref<80x32xf32, #tpu.memory_space<vmem>> -> memref<20x32xf32, #tpu.memory_space<vmem>>
    tpu.wait_dma2 semaphore(%arg15 : memref<!tpu.dma_semaphore, #tpu.memory_space<semaphore_mem>>) src(%dma_wait3A_157 : memref<20x32xf32, #tpu.memory_space<vmem>>) dst(%dma_wait3A_154 : memref<20x32xf32, #tpu.memory_space<hbm>>)
    %add3A_158 = arith.constant 3 : i32
    %add3A_159 = arith.addi %add3A_109, %add3A_158 : i32
    %dma_wait3A_160 = arith.constant 60 : i32
    %dma_wait3A_161 = arith.constant 0 : i32
    %dma_wait3A_162 = tpu.memref_slice %arg7[%dma_wait3A_160, %dma_wait3A_161] : memref<80x32xf32, #tpu.memory_space<vmem>> -> memref<20x32xf32, #tpu.memory_space<vmem>>
    %dma_wait3A_163 = arith.constant 0 : i32
    %dma_wait3A_164 = arith.constant 0 : i32
    %dma_wait3A_165 = tpu.memref_slice %arg4[%add3A_159, %dma_wait3A_163, %dma_wait3A_164] : memref<16384x20x32xf32, #tpu.memory_space<hbm>> -> memref<1x20x32xf32, #tpu.memory_space<hbm>>
    %dma_wait3A_166 = tpu.memref_squeeze %dma_wait3A_165 : memref<1x20x32xf32, #tpu.memory_space<hbm>> -> memref<20x32xf32, #tpu.memory_space<hbm>>
    %dma_wait3A_167 = arith.constant 0 : i32
    %dma_wait3A_168 = arith.constant 0 : i32
    %dma_wait3A_169 = tpu.memref_slice %arg4[%add3A_159, %dma_wait3A_167, %dma_wait3A_168] : memref<16384x20x32xf32, #tpu.memory_space<hbm>> -> memref<1x20x32xf32, #tpu.memory_space<hbm>>
    %dma_wait3A_170 = tpu.memref_squeeze %dma_wait3A_169 : memref<1x20x32xf32, #tpu.memory_space<hbm>> -> memref<20x32xf32, #tpu.memory_space<hbm>>
    %dma_wait3A_171 = arith.constant 60 : i32
    %dma_wait3A_172 = arith.constant 0 : i32
    %dma_wait3A_173 = tpu.memref_slice %arg7[%dma_wait3A_171, %dma_wait3A_172] : memref<80x32xf32, #tpu.memory_space<vmem>> -> memref<20x32xf32, #tpu.memory_space<vmem>>
    tpu.wait_dma2 semaphore(%arg15 : memref<!tpu.dma_semaphore, #tpu.memory_space<semaphore_mem>>) src(%dma_wait3A_173 : memref<20x32xf32, #tpu.memory_space<vmem>>) dst(%dma_wait3A_170 : memref<20x32xf32, #tpu.memory_space<hbm>>)
    %add3A_174 = arith.constant 504 : i32
    %add3A_175 = arith.addi %select_n3A, %add3A_174 : i32
    %add3A_176 = arith.constant 0 : i32
    %add3A_177 = arith.addi %add3A_175, %add3A_176 : i32
    %dma_wait3A_178 = arith.constant 0 : i32
    %dma_wait3A_179 = arith.constant 0 : i32
    %dma_wait3A_180 = tpu.memref_slice %arg8[%dma_wait3A_178, %dma_wait3A_179] : memref<80x32xf32, #tpu.memory_space<vmem>> -> memref<20x32xf32, #tpu.memory_space<vmem>>
    %dma_wait3A_181 = arith.constant 0 : i32
    %dma_wait3A_182 = arith.constant 0 : i32
    %dma_wait3A_183 = tpu.memref_slice %arg4[%add3A_177, %dma_wait3A_181, %dma_wait3A_182] : memref<16384x20x32xf32, #tpu.memory_space<hbm>> -> memref<1x20x32xf32, #tpu.memory_space<hbm>>
    %dma_wait3A_184 = tpu.memref_squeeze %dma_wait3A_183 : memref<1x20x32xf32, #tpu.memory_space<hbm>> -> memref<20x32xf32, #tpu.memory_space<hbm>>
    %dma_wait3A_185 = arith.constant 0 : i32
    %dma_wait3A_186 = arith.constant 0 : i32
    %dma_wait3A_187 = tpu.memref_slice %arg4[%add3A_177, %dma_wait3A_185, %dma_wait3A_186] : memref<16384x20x32xf32, #tpu.memory_space<hbm>> -> memref<1x20x32xf32, #tpu.memory_space<hbm>>
    %dma_wait3A_188 = tpu.memref_squeeze %dma_wait3A_187 : memref<1x20x32xf32, #tpu.memory_space<hbm>> -> memref<20x32xf32, #tpu.memory_space<hbm>>
    %dma_wait3A_189 = arith.constant 0 : i32
    %dma_wait3A_190 = arith.constant 0 : i32
    %dma_wait3A_191 = tpu.memref_slice %arg8[%dma_wait3A_189, %dma_wait3A_190] : memref<80x32xf32, #tpu.memory_space<vmem>> -> memref<20x32xf32, #tpu.memory_space<vmem>>
    tpu.wait_dma2 semaphore(%arg16 : memref<!tpu.dma_semaphore, #tpu.memory_space<semaphore_mem>>) src(%dma_wait3A_191 : memref<20x32xf32, #tpu.memory_space<vmem>>) dst(%dma_wait3A_188 : memref<20x32xf32, #tpu.memory_space<hbm>>)
    %add3A_192 = arith.constant 1 : i32
    %add3A_193 = arith.addi %add3A_175, %add3A_192 : i32
    %dma_wait3A_194 = arith.constant 20 : i32
    %dma_wait3A_195 = arith.constant 0 : i32
    %dma_wait3A_196 = tpu.memref_slice %arg8[%dma_wait3A_194, %dma_wait3A_195] : memref<80x32xf32, #tpu.memory_space<vmem>> -> memref<20x32xf32, #tpu.memory_space<vmem>>
    %dma_wait3A_197 = arith.constant 0 : i32
    %dma_wait3A_198 = arith.constant 0 : i32
    %dma_wait3A_199 = tpu.memref_slice %arg4[%add3A_193, %dma_wait3A_197, %dma_wait3A_198] : memref<16384x20x32xf32, #tpu.memory_space<hbm>> -> memref<1x20x32xf32, #tpu.memory_space<hbm>>
    %dma_wait3A_200 = tpu.memref_squeeze %dma_wait3A_199 : memref<1x20x32xf32, #tpu.memory_space<hbm>> -> memref<20x32xf32, #tpu.memory_space<hbm>>
    %dma_wait3A_201 = arith.constant 0 : i32
    %dma_wait3A_202 = arith.constant 0 : i32
    %dma_wait3A_203 = tpu.memref_slice %arg4[%add3A_193, %dma_wait3A_201, %dma_wait3A_202] : memref<16384x20x32xf32, #tpu.memory_space<hbm>> -> memref<1x20x32xf32, #tpu.memory_space<hbm>>
    %dma_wait3A_204 = tpu.memref_squeeze %dma_wait3A_203 : memref<1x20x32xf32, #tpu.memory_space<hbm>> -> memref<20x32xf32, #tpu.memory_space<hbm>>
    %dma_wait3A_205 = arith.constant 20 : i32
    %dma_wait3A_206 = arith.constant 0 : i32
    %dma_wait3A_207 = tpu.memref_slice %arg8[%dma_wait3A_205, %dma_wait3A_206] : memref<80x32xf32, #tpu.memory_space<vmem>> -> memref<20x32xf32, #tpu.memory_space<vmem>>
    tpu.wait_dma2 semaphore(%arg16 : memref<!tpu.dma_semaphore, #tpu.memory_space<semaphore_mem>>) src(%dma_wait3A_207 : memref<20x32xf32, #tpu.memory_space<vmem>>) dst(%dma_wait3A_204 : memref<20x32xf32, #tpu.memory_space<hbm>>)
    %add3A_208 = arith.constant 2 : i32
    %add3A_209 = arith.addi %add3A_175, %add3A_208 : i32
    %dma_wait3A_210 = arith.constant 40 : i32
    %dma_wait3A_211 = arith.constant 0 : i32
    %dma_wait3A_212 = tpu.memref_slice %arg8[%dma_wait3A_210, %dma_wait3A_211] : memref<80x32xf32, #tpu.memory_space<vmem>> -> memref<20x32xf32, #tpu.memory_space<vmem>>
    %dma_wait3A_213 = arith.constant 0 : i32
    %dma_wait3A_214 = arith.constant 0 : i32
    %dma_wait3A_215 = tpu.memref_slice %arg4[%add3A_209, %dma_wait3A_213, %dma_wait3A_214] : memref<16384x20x32xf32, #tpu.memory_space<hbm>> -> memref<1x20x32xf32, #tpu.memory_space<hbm>>
    %dma_wait3A_216 = tpu.memref_squeeze %dma_wait3A_215 : memref<1x20x32xf32, #tpu.memory_space<hbm>> -> memref<20x32xf32, #tpu.memory_space<hbm>>
    %dma_wait3A_217 = arith.constant 0 : i32
    %dma_wait3A_218 = arith.constant 0 : i32
    %dma_wait3A_219 = tpu.memref_slice %arg4[%add3A_209, %dma_wait3A_217, %dma_wait3A_218] : memref<16384x20x32xf32, #tpu.memory_space<hbm>> -> memref<1x20x32xf32, #tpu.memory_space<hbm>>
    %dma_wait3A_220 = tpu.memref_squeeze %dma_wait3A_219 : memref<1x20x32xf32, #tpu.memory_space<hbm>> -> memref<20x32xf32, #tpu.memory_space<hbm>>
    %dma_wait3A_221 = arith.constant 40 : i32
    %dma_wait3A_222 = arith.constant 0 : i32
    %dma_wait3A_223 = tpu.memref_slice %arg8[%dma_wait3A_221, %dma_wait3A_222] : memref<80x32xf32, #tpu.memory_space<vmem>> -> memref<20x32xf32, #tpu.memory_space<vmem>>
    tpu.wait_dma2 semaphore(%arg16 : memref<!tpu.dma_semaphore, #tpu.memory_space<semaphore_mem>>) src(%dma_wait3A_223 : memref<20x32xf32, #tpu.memory_space<vmem>>) dst(%dma_wait3A_220 : memref<20x32xf32, #tpu.memory_space<hbm>>)
    %add3A_224 = arith.constant 3 : i32
    %add3A_225 = arith.addi %add3A_175, %add3A_224 : i32
    %dma_wait3A_226 = arith.constant 60 : i32
    %dma_wait3A_227 = arith.constant 0 : i32
    %dma_wait3A_228 = tpu.memref_slice %arg8[%dma_wait3A_226, %dma_wait3A_227] : memref<80x32xf32, #tpu.memory_space<vmem>> -> memref<20x32xf32, #tpu.memory_space<vmem>>
    %dma_wait3A_229 = arith.constant 0 : i32
    %dma_wait3A_230 = arith.constant 0 : i32
    %dma_wait3A_231 = tpu.memref_slice %arg4[%add3A_225, %dma_wait3A_229, %dma_wait3A_230] : memref<16384x20x32xf32, #tpu.memory_space<hbm>> -> memref<1x20x32xf32, #tpu.memory_space<hbm>>
    %dma_wait3A_232 = tpu.memref_squeeze %dma_wait3A_231 : memref<1x20x32xf32, #tpu.memory_space<hbm>> -> memref<20x32xf32, #tpu.memory_space<hbm>>
    %dma_wait3A_233 = arith.constant 0 : i32
    %dma_wait3A_234 = arith.constant 0 : i32
    %dma_wait3A_235 = tpu.memref_slice %arg4[%add3A_225, %dma_wait3A_233, %dma_wait3A_234] : memref<16384x20x32xf32, #tpu.memory_space<hbm>> -> memref<1x20x32xf32, #tpu.memory_space<hbm>>
    %dma_wait3A_236 = tpu.memref_squeeze %dma_wait3A_235 : memref<1x20x32xf32, #tpu.memory_space<hbm>> -> memref<20x32xf32, #tpu.memory_space<hbm>>
    %dma_wait3A_237 = arith.constant 60 : i32
    %dma_wait3A_238 = arith.constant 0 : i32
    %dma_wait3A_239 = tpu.memref_slice %arg8[%dma_wait3A_237, %dma_wait3A_238] : memref<80x32xf32, #tpu.memory_space<vmem>> -> memref<20x32xf32, #tpu.memory_space<vmem>>
    tpu.wait_dma2 semaphore(%arg16 : memref<!tpu.dma_semaphore, #tpu.memory_space<semaphore_mem>>) src(%dma_wait3A_239 : memref<20x32xf32, #tpu.memory_space<vmem>>) dst(%dma_wait3A_236 : memref<20x32xf32, #tpu.memory_space<hbm>>)
    %add3A_240 = arith.constant 508 : i32
    %add3A_241 = arith.addi %select_n3A, %add3A_240 : i32
    %add3A_242 = arith.constant 0 : i32
    %add3A_243 = arith.addi %add3A_241, %add3A_242 : i32
    %dma_wait3A_244 = arith.constant 0 : i32
    %dma_wait3A_245 = arith.constant 0 : i32
    %dma_wait3A_246 = tpu.memref_slice %arg9[%dma_wait3A_244, %dma_wait3A_245] : memref<80x32xf32, #tpu.memory_space<vmem>> -> memref<20x32xf32, #tpu.memory_space<vmem>>
    %dma_wait3A_247 = arith.constant 0 : i32
    %dma_wait3A_248 = arith.constant 0 : i32
    %dma_wait3A_249 = tpu.memref_slice %arg4[%add3A_243, %dma_wait3A_247, %dma_wait3A_248] : memref<16384x20x32xf32, #tpu.memory_space<hbm>> -> memref<1x20x32xf32, #tpu.memory_space<hbm>>
    %dma_wait3A_250 = tpu.memref_squeeze %dma_wait3A_249 : memref<1x20x32xf32, #tpu.memory_space<hbm>> -> memref<20x32xf32, #tpu.memory_space<hbm>>
    %dma_wait3A_251 = arith.constant 0 : i32
    %dma_wait3A_252 = arith.constant 0 : i32
    %dma_wait3A_253 = tpu.memref_slice %arg4[%add3A_243, %dma_wait3A_251, %dma_wait3A_252] : memref<16384x20x32xf32, #tpu.memory_space<hbm>> -> memref<1x20x32xf32, #tpu.memory_space<hbm>>
    %dma_wait3A_254 = tpu.memref_squeeze %dma_wait3A_253 : memref<1x20x32xf32, #tpu.memory_space<hbm>> -> memref<20x32xf32, #tpu.memory_space<hbm>>
    %dma_wait3A_255 = arith.constant 0 : i32
    %dma_wait3A_256 = arith.constant 0 : i32
    %dma_wait3A_257 = tpu.memref_slice %arg9[%dma_wait3A_255, %dma_wait3A_256] : memref<80x32xf32, #tpu.memory_space<vmem>> -> memref<20x32xf32, #tpu.memory_space<vmem>>
    tpu.wait_dma2 semaphore(%arg17 : memref<!tpu.dma_semaphore, #tpu.memory_space<semaphore_mem>>) src(%dma_wait3A_257 : memref<20x32xf32, #tpu.memory_space<vmem>>) dst(%dma_wait3A_254 : memref<20x32xf32, #tpu.memory_space<hbm>>)
    %add3A_258 = arith.constant 1 : i32
    %add3A_259 = arith.addi %add3A_241, %add3A_258 : i32
    %dma_wait3A_260 = arith.constant 20 : i32
    %dma_wait3A_261 = arith.constant 0 : i32
    %dma_wait3A_262 = tpu.memref_slice %arg9[%dma_wait3A_260, %dma_wait3A_261] : memref<80x32xf32, #tpu.memory_space<vmem>> -> memref<20x32xf32, #tpu.memory_space<vmem>>
    %dma_wait3A_263 = arith.constant 0 : i32
    %dma_wait3A_264 = arith.constant 0 : i32
    %dma_wait3A_265 = tpu.memref_slice %arg4[%add3A_259, %dma_wait3A_263, %dma_wait3A_264] : memref<16384x20x32xf32, #tpu.memory_space<hbm>> -> memref<1x20x32xf32, #tpu.memory_space<hbm>>
    %dma_wait3A_266 = tpu.memref_squeeze %dma_wait3A_265 : memref<1x20x32xf32, #tpu.memory_space<hbm>> -> memref<20x32xf32, #tpu.memory_space<hbm>>
    %dma_wait3A_267 = arith.constant 0 : i32
    %dma_wait3A_268 = arith.constant 0 : i32
    %dma_wait3A_269 = tpu.memref_slice %arg4[%add3A_259, %dma_wait3A_267, %dma_wait3A_268] : memref<16384x20x32xf32, #tpu.memory_space<hbm>> -> memref<1x20x32xf32, #tpu.memory_space<hbm>>
    %dma_wait3A_270 = tpu.memref_squeeze %dma_wait3A_269 : memref<1x20x32xf32, #tpu.memory_space<hbm>> -> memref<20x32xf32, #tpu.memory_space<hbm>>
    %dma_wait3A_271 = arith.constant 20 : i32
    %dma_wait3A_272 = arith.constant 0 : i32
    %dma_wait3A_273 = tpu.memref_slice %arg9[%dma_wait3A_271, %dma_wait3A_272] : memref<80x32xf32, #tpu.memory_space<vmem>> -> memref<20x32xf32, #tpu.memory_space<vmem>>
    tpu.wait_dma2 semaphore(%arg17 : memref<!tpu.dma_semaphore, #tpu.memory_space<semaphore_mem>>) src(%dma_wait3A_273 : memref<20x32xf32, #tpu.memory_space<vmem>>) dst(%dma_wait3A_270 : memref<20x32xf32, #tpu.memory_space<hbm>>)
    %add3A_274 = arith.constant 2 : i32
    %add3A_275 = arith.addi %add3A_241, %add3A_274 : i32
    %dma_wait3A_276 = arith.constant 40 : i32
    %dma_wait3A_277 = arith.constant 0 : i32
    %dma_wait3A_278 = tpu.memref_slice %arg9[%dma_wait3A_276, %dma_wait3A_277] : memref<80x32xf32, #tpu.memory_space<vmem>> -> memref<20x32xf32, #tpu.memory_space<vmem>>
    %dma_wait3A_279 = arith.constant 0 : i32
    %dma_wait3A_280 = arith.constant 0 : i32
    %dma_wait3A_281 = tpu.memref_slice %arg4[%add3A_275, %dma_wait3A_279, %dma_wait3A_280] : memref<16384x20x32xf32, #tpu.memory_space<hbm>> -> memref<1x20x32xf32, #tpu.memory_space<hbm>>
    %dma_wait3A_282 = tpu.memref_squeeze %dma_wait3A_281 : memref<1x20x32xf32, #tpu.memory_space<hbm>> -> memref<20x32xf32, #tpu.memory_space<hbm>>
    %dma_wait3A_283 = arith.constant 0 : i32
    %dma_wait3A_284 = arith.constant 0 : i32
    %dma_wait3A_285 = tpu.memref_slice %arg4[%add3A_275, %dma_wait3A_283, %dma_wait3A_284] : memref<16384x20x32xf32, #tpu.memory_space<hbm>> -> memref<1x20x32xf32, #tpu.memory_space<hbm>>
    %dma_wait3A_286 = tpu.memref_squeeze %dma_wait3A_285 : memref<1x20x32xf32, #tpu.memory_space<hbm>> -> memref<20x32xf32, #tpu.memory_space<hbm>>
    %dma_wait3A_287 = arith.constant 40 : i32
    %dma_wait3A_288 = arith.constant 0 : i32
    %dma_wait3A_289 = tpu.memref_slice %arg9[%dma_wait3A_287, %dma_wait3A_288] : memref<80x32xf32, #tpu.memory_space<vmem>> -> memref<20x32xf32, #tpu.memory_space<vmem>>
    tpu.wait_dma2 semaphore(%arg17 : memref<!tpu.dma_semaphore, #tpu.memory_space<semaphore_mem>>) src(%dma_wait3A_289 : memref<20x32xf32, #tpu.memory_space<vmem>>) dst(%dma_wait3A_286 : memref<20x32xf32, #tpu.memory_space<hbm>>)
    %add3A_290 = arith.constant 3 : i32
    %add3A_291 = arith.addi %add3A_241, %add3A_290 : i32
    %dma_wait3A_292 = arith.constant 60 : i32
    %dma_wait3A_293 = arith.constant 0 : i32
    %dma_wait3A_294 = tpu.memref_slice %arg9[%dma_wait3A_292, %dma_wait3A_293] : memref<80x32xf32, #tpu.memory_space<vmem>> -> memref<20x32xf32, #tpu.memory_space<vmem>>
    %dma_wait3A_295 = arith.constant 0 : i32
    %dma_wait3A_296 = arith.constant 0 : i32
    %dma_wait3A_297 = tpu.memref_slice %arg4[%add3A_291, %dma_wait3A_295, %dma_wait3A_296] : memref<16384x20x32xf32, #tpu.memory_space<hbm>> -> memref<1x20x32xf32, #tpu.memory_space<hbm>>
    %dma_wait3A_298 = tpu.memref_squeeze %dma_wait3A_297 : memref<1x20x32xf32, #tpu.memory_space<hbm>> -> memref<20x32xf32, #tpu.memory_space<hbm>>
    %dma_wait3A_299 = arith.constant 0 : i32
    %dma_wait3A_300 = arith.constant 0 : i32
    %dma_wait3A_301 = tpu.memref_slice %arg4[%add3A_291, %dma_wait3A_299, %dma_wait3A_300] : memref<16384x20x32xf32, #tpu.memory_space<hbm>> -> memref<1x20x32xf32, #tpu.memory_space<hbm>>
    %dma_wait3A_302 = tpu.memref_squeeze %dma_wait3A_301 : memref<1x20x32xf32, #tpu.memory_space<hbm>> -> memref<20x32xf32, #tpu.memory_space<hbm>>
    %dma_wait3A_303 = arith.constant 60 : i32
    %dma_wait3A_304 = arith.constant 0 : i32
    %dma_wait3A_305 = tpu.memref_slice %arg9[%dma_wait3A_303, %dma_wait3A_304] : memref<80x32xf32, #tpu.memory_space<vmem>> -> memref<20x32xf32, #tpu.memory_space<vmem>>
    tpu.wait_dma2 semaphore(%arg17 : memref<!tpu.dma_semaphore, #tpu.memory_space<semaphore_mem>>) src(%dma_wait3A_305 : memref<20x32xf32, #tpu.memory_space<vmem>>) dst(%dma_wait3A_302 : memref<20x32xf32, #tpu.memory_space<hbm>>)
    return
  }
}

</mosaic_0001>

<sc_bundles>
// kernel: kernel.3.cloned.1.call-start
scs
__scs_entry_jumppad:
0x0: {  	(pc) =	sbr.rel $0x88, $3  }
0x1: {  	(tag) =	ssettag $0x0;
	lr =	simm.s32 $0x1  }
0x2: {  	[smem:$0x3F9F] =	sst lr;
	_ =	strace $0xD0000000  }
0x3: {  	_ = 	snop  }
0x4: {  	_ = 	snop  }
0x5: {  	_ = 	snop  }
0x6: {  	_ = 	snop  }
0x7: {  	_ = 	snop  }
__scs_overlays_trampoline_lowered:
0x8: {  	[smem:$0x3FAE] =	sst s0  }
0x9: {  	[smem:$0x3FAF] =	sst s1  }
0xa: {  	[smem:$0x3FB0] =	sst s2  }
0xb: {  	[smem:$0x3FB1] =	sst s3  }
0xc: {  	[smem:$0x3FB2] =	sst s4  }
0xd: {  	[smem:$0x3FB3] =	sst s5  }
0xe: {  	[smem:$0x3FB4] =	sst s6  }
0xf: {  	[smem:$0x3FB5] =	sst s7  }
0x10: {  	[smem:$0x3FB6] =	sst s8  }
0x11: {  	[smem:$0x3FB7] =	sst s9;
	s0 =	simm.s32 @!p0 $0x0  }
0x12: {  	s1 =	sld [smem:$0x3F9D];
	s0 =	simm.s32 @p0 $0x1  }
0x13: {  	[smem:$0x3FB8] =	sst s0;
	s0 =	simm.s32 @!p1 $0x0  }
0x14: {  	s2 =	sld [smem:$0x3F9C];
	s0 =	simm.s32 @p1 $0x1  }
0x15: {  	[smem:$0x3FB9] =	sst s0;
	s0 =	simm.s32 @!p2 $0x0  }
0x16: {  	s3 =	sld [smem:$0x3FDB];
	s0 =	simm.s32 @p2 $0x1  }
0x17: {  	s4 =	simm.s32 $0x1BF5;
	[smem:$0x3FBB] =	sst s0  }
0x18: {  	s0 =	sld [smem:$0x3F9E];
	_ =	swait.ge [sflag:s4], $0x0  }
0x19: {  	s7 =	sld [smem:$0x3F9F]  }
0x1a: {  	s8 =	sadd.s32 $0xFFFFE003, lr  }
0x1b: {  	s9 =	sadd.s32 $0xFFFFFEF7, lr;
	s5 =	simm.s32 $0xFFFFFFFF;
	p2 =	slt.u32 s8, $0xFFFFF086  }
0x1c: {  	p1 =	slt.u32 s9, $0xF7A;
	s5 =	simm.s32 @!p2 $0x0  }
0x1d: {  	s5 =	simm.s32 @p1 $0x1;
	p0 =	seq.s32 s7, s2  }
0x1e: {  	s7 =	smul.u32 @!p0 $0xF7A, s2;
	p2 =	seq.s32 @!p0 s5, $0x0  }
0x1f: {  	s9 =	smul.u32 $0xF7A, s1;
	s8 =	simm.s32 @!p0 $0x1BF5;
	p2 =	por !p2, p0  }
0x20: {  	[sflag:s8] =	ssyncset.s32 @!p0 $0xFFFFF086;
	s6 =	sadd.s32 @!p0 s3, s7;
	s7 =	simm.s32 @!p0 $0x108  }
0x21: {  	s3 =	sadd.s32 s3, s9;
	s6 =	sadd.s32 @!p0 $0x88, s6;
	s7 =	simm.s32 @p2 $0x1082  }
0x22: {  	[simem:s7], [sflag:s8] =	dma.local @!p0 [hbm:s6], $0xF7A  }
0x23: {  	s9 =	sor.u32 $0xD0000000, s2;
	s6 =	simm.s32 $0x108;
	_ =	swait.ge @!p0 [sflag:s8], $0x0  }
0x24: {  	s3 =	sadd.s32 $0x88, s3;
	s6 =	simm.s32 @!p1 $0x1082;
	[sflag:s4] =	ssyncset.s32 $0xFFFFF086  }
0x25: {  	[simem:s6], [sflag:s4] =	dma.local [hbm:s3], $0xF7A  }
0x26: {  	[smem:$0x3F9F] =	sst s1;
	(tag) =	ssettag s2;
	_ =	strace s9  }
0x27: {  	s1 =	sld [smem:$0x3FAF]  }
0x28: {  	s2 =	sld [smem:$0x3FB0]  }
0x29: {  	s4 =	sld [smem:$0x3FB2]  }
0x2a: {  	p0 =	seq.s32 s5, $0x0;
	s5 =	sld [smem:$0x3FB3]  }
0x2b: {  	s6 =	sld [smem:$0x3FB4]  }
0x2c: {  	s7 =	sld [smem:$0x3FB5]  }
0x2d: {  	s3 =	simm.s32 $0x108;
	s8 =	sld [smem:$0x3FB6]  }
0x2e: {  	s3 =	simm.s32 @!p0 $0x1082;
	s9 =	sld [smem:$0x3FB7]  }
0x2f: {  	lr =	sadd.s32 s0, s3;
	s0 =	sld [smem:$0x3FAE]  }
0x30: {  	s3 =	sld [smem:$0x3FB1]  }
0x31: {  	[smem:$0x3FBA] =	sst s10  }
0x32: {  	s10 =	sld [smem:$0x3FB8];
	_ =	sdelay $0x3  }
0x33: {  	p0 =	seq.s32 s10, $0x1;
	s10 =	sld [smem:$0x3FBA];
	_ =	sdelay $0x3  }
0x34: {  	[smem:$0x3FBA] =	sst s10  }
0x35: {  	s10 =	sld [smem:$0x3FB9];
	_ =	sdelay $0x3  }
0x36: {  	p1 =	seq.s32 s10, $0x1;
	s10 =	sld [smem:$0x3FBA];
	_ =	sdelay $0x3  }
0x37: {  	[smem:$0x3FBA] =	sst s10  }
0x38: {  	s10 =	sld [smem:$0x3FBB]  }
0x39: {  	_ = 	snop;
	(pc) =	sbr.ind lr, $3  }
0x3a: {  	_ = 	snop  }
0x3b: {  	_ = 	snop  }
0x3c: {  	p2 =	seq.s32 s10, $0x1;
	s10 =	sld [smem:$0x3FBA]  }
0x3d: {  	_ =	shalt  }
0x3e: {  	_ =	shalt  }
0x3f: {  	_ =	shalt  }
0x40: {  	_ =	shalt  }
0x41: {  	_ =	shalt  }
0x42: {  	_ =	shalt  }
0x43: {  	_ =	shalt  }
0x44: {  	_ =	shalt  }
0x45: {  	_ =	shalt  }
0x46: {  	_ =	shalt  }
0x47: {  	_ =	shalt  }
0x48: {  	_ =	shalt  }
0x49: {  	_ =	shalt  }
0x4a: {  	_ =	shalt  }
0x4b: {  	_ =	shalt  }
0x4c: {  	_ =	shalt  }
0x4d: {  	_ =	shalt  }
0x4e: {  	_ =	shalt  }
0x4f: {  	_ =	shalt  }
0x50: {  	_ =	shalt  }
0x51: {  	_ =	shalt  }
0x52: {  	_ =	shalt  }
0x53: {  	_ =	shalt  }
0x54: {  	_ =	shalt  }
0x55: {  	_ =	shalt  }
0x56: {  	_ =	shalt  }
0x57: {  	_ =	shalt  }
0x58: {  	_ =	shalt  }
0x59: {  	_ =	shalt  }
0x5a: {  	_ =	shalt  }
0x5b: {  	_ =	shalt  }
0x5c: {  	_ =	shalt  }
0x5d: {  	_ =	shalt  }
0x5e: {  	_ =	shalt  }
0x5f: {  	_ =	shalt  }
0x60: {  	_ =	shalt  }
0x61: {  	_ =	shalt  }
0x62: {  	_ =	shalt  }
0x63: {  	_ =	shalt  }
0x64: {  	_ =	shalt  }
0x65: {  	_ =	shalt  }
0x66: {  	_ =	shalt  }
0x67: {  	_ =	shalt  }
0x68: {  	_ =	shalt  }
0x69: {  	_ =	shalt  }
0x6a: {  	_ =	shalt  }
0x6b: {  	_ =	shalt  }
0x6c: {  	_ =	shalt  }
0x6d: {  	_ =	shalt  }
0x6e: {  	_ =	shalt  }
0x6f: {  	_ =	shalt  }
0x70: {  	_ =	shalt  }
0x71: {  	_ =	shalt  }
0x72: {  	_ =	shalt  }
0x73: {  	_ =	shalt  }
0x74: {  	_ =	shalt  }
0x75: {  	_ =	shalt  }
0x76: {  	_ =	shalt  }
0x77: {  	_ =	shalt  }
0x78: {  	_ =	shalt  }
0x79: {  	_ =	shalt  }
0x7a: {  	_ =	shalt  }
0x7b: {  	_ =	shalt  }
0x7c: {  	_ =	shalt  }
0x7d: {  	_ =	shalt  }
0x7e: {  	_ =	shalt  }
0x7f: {  	_ =	shalt  }
0x80: {  	_ =	shalt  }
0x81: {  	_ =	shalt  }
0x82: {  	_ =	shalt  }
0x83: {  	_ =	shalt  }
0x84: {  	_ =	shalt  }
0x85: {  	_ =	shalt  }
0x86: {  	_ =	shalt  }
0x87: {  	_ =	shalt  }
.Lfunc_end0:
.L_simem_size_0:
called_computation.1_lowered:
.L_overlay_start_0:
0x88: {  	s2 =	sld [smem:$0x3FD9]  }
0x89: {  	s3 =	sld [smem:$0x3FFE];
	_ =	sdelay $0x1  }
0x8a: {  	s1 =	srdreg.scid  }
0x8b: {  	s0 =	sand.u32 $0x1, s1  }
0x8c: {  	s17 =	sshll.u32 s0, $0xA;
	s2 =	sadd.s32 s3, s2  }
0x8d: {  	s2 =	sadd.s32 s2, s17  }
0x8e: {  	[smem:$0x3FC6] =	sst s2  }
0x8f: {  	_ = 	snop  }
0x90: {  	s2 =	sld [smem:$0x3FD0];
	(tm) =	ssettm $0x1  }
0x91: {  	s18 =	sld [smem:$0x3FFB];
	_ =	sdelay $0x3  }
0x92: {  	_ =	strace s18  }
0x93: {  	s3 =	sld [smem:$0x3FFC];
	_ =	sdelay $0x3  }
0x94: {  	_ =	strace s3  }
0x95: {  	s3 =	sld [smem:$0x3FFD];
	_ =	sdelay $0x3  }
0x96: {  	_ =	strace s3  }
0x97: {  	_ =	strace $0x8FFFFFFF  }
0x98: {  	s19 =	sld [smem:$0x3FDB];
	_ =	sdelay $0x1  }
0x99: {  	s4 =	simm.s32 $_scs_section_size  }
0x9a: {  	s5 =	simm.s32 $_size__tile_overlayer_lowered;
	s6 =	simm.s32 $_tile_overlayer_lowered  }
0x9b: {  	s22 =	simm.s32 $0x1BFF;
	s21 =	sshll.u32 s6, $0x1;
	s3 =	sadd.s32 s4, s19  }
0x9c: {  	s7 =	simm.s32 $0x0;
	s20 =	sshll.u32 s5, $0x1;
	s5 =	sadd.s32 s21, s3  }
0x9d: {  	[timem:s7], [sflag:s22] =	dma.local [hbm:s5], s20  }
0x9e: {  	_ =	swait.ge [sflag:s22], s20  }
0x9f: {  	s4 =	ssub.s32 $0x0, s20;
	[sflag:s22] =	ssyncset.done $0x0  }
0xa0: {  	[sflag:s22] =	ssyncadd.s32 s4;
	_ =	sdelay $0x1  }
0xa1: {  	s23 =	simm.s32 $0x1B8B  }
0xa2: {  	_ =	swait.ge [sflag:s23], $0x1  }
0xa3: {  	[sflag:s23] =	ssyncset.done $0x0  }
0xa4: {  	s25 =	simm.s32 $0x1B8E;
	s24 =	sld [smem:$0x3FFE];
	[sflag:s23] =	ssyncadd.s32 $0xFFFFFFFF  }
0xa5: {  	s26 =	simm.s32 $execute0_lowered;
	[smem:$0x3FD2] =	sst s25  }
0xa6: {  	s5 =	sshll.u32 s26, $0x1;
	_ =	strace $0x80000046;
	[dreg:$0x1] =	wrdreg $0xFFFFFFFF  }
0xa7: {  	s28 =	simm.s32 $_size_execute0_lowered;
	s3 =	sadd.s32 s3, s5;
	[dreg:$0x0] =	wrdreg $0x0  }
0xa8: {  	s5 =	sshll.u32 s28, $0x1;
	[dreg:$0x2] =	wrdreg s3  }
0xa9: {  	[dreg:$0x3] =	wrdreg s5  }
0xaa: {  	[dreg:$0x4] =	wrdreg $0xC0  }
0xab: {  	_ =	task [dreg:s7], $0x5FFFF  }
0xac: {  	[dreg:$0x1] =	wrdreg $0xFFFFFFFF  }
0xad: {  	[dreg:$0x0] =	wrdreg $0x60  }
0xae: {  	[dreg:$0x2] =	wrdreg s24  }
0xaf: {  	[dreg:$0x3] =	wrdreg s2  }
0xb0: {  	[dreg:$0x4] =	wrdreg $0x9  }
0xb1: {  	_ =	task.clear_ibuf [dreg:s7], $0x5FFFF;
	_ =	strace $0x90000046  }
0xb2: {  	s29 =	simm.s32 $0x9;
	_ =	strace $0x80000048  }
0xb3: {  	_ =	swait.ge [sflag:s29], $0x1  }
0xb4: {  	[sflag:s29] =	ssyncadd.s32 $0xFFFFFFFF  }
0xb5: {  	_ =	strace $0x90000048  }
0xb6: {  	_ =	sfence  }
0xb7: {  	s30 =	sld [smem:$0x0];
	_ =	sdelay $0x2  }
0xb8: {  	s31 =	sshll.u32 s1, $0xD;
	s1 =	sshrl.u32 s1, $0x2  }
0xb9: {  	s3 =	sand.u32 $0x4000, s31;
	s1 =	sadd.s32 s1, s30  }
0xba: {  	s0 =	sor.u32 s3, s0;
	s1 =	sshll.u32 s1, $0x11  }
0xbb: {  	s0 =	sor.u32 s1, s0  }
0xbc: {  	s0 =	sadd.s32 $0x8F2B, s0  }
0xbd: {  	[sflag:s0] =	ssyncadd.remote.s32 $0x1  }
0xbe: {  	_ =	sfence.sel $0xFFFF  }
0xbf: {  	[dreg:$0x0] =	wrdreg $0xFFFFFFFF;
	(pc) =	sbr.abs _section_cstart, $3  }
0xc0: {  	[dreg:$0x1] =	wrdreg $0xFFFFFFFF  }
0xc1: {  	_ =	task.clear_ibuf [dreg:s7], $0x2FFFF;
	_ =	strace $0x9FFFFFFF  }
0xc2: {  	(tm) =	ssettm $0x7FFFFFFF  }
0xc3: {  	_ =	shalt  }
tec
execute0_lowered:
.L_overlay_start_1:
0x0: {  	(tag) =	ssettag $0x1  }
0x1: {  	s0 =	srdreg.scid;
	s3 =	rddreg [dreg:$0x0]  }
0x2: {  	s9 =	stileid.u32;
	s4 =	rddreg [dreg:$0x1];
	s2 =	simm.s32 $0x0  }
0x3: {  	s15 =	simm.s32 $0x50;
	s29 =	simm.s32 $0x3700;
	s30 =	simm.s32 $0x3980  }
0x4: {  	s31 =	simm.s32 $0x3;
	s14 =	simm.s32 $0x4D80;
	s5 =	smul.u32 $0xA0000, s9  }
0x5: {  	s16 =	simm.s32 $0x8;
	s0 =	sand.u32 $0x1, s0;
	s22 =	smul.u32 $0x14000, s9  }
0x6: {  	s1 =	sshll.u32 s9, $0x1;
	[smem:$0x7FF] =	sst s2;
	s6 =	smul.u32 $0x50000, s0  }
0x7: {  	s1 =	sor.u32 s0, s1;
	s7 =	ssub.s32 $0x2, s0;
	s0 =	smul.u32 $0xA000, s0  }
0x8: {  	_ =	strace $0x80000047;
	s1 =	smul.u32 $0x500, s1;
	s8 =	sshrl.u32 s7, $0x1  }
0x9: {  	s9 =	sadd.s32 s22, s4;
	s22 =	simm.s32 $0x1;
	s5 =	sadd.s32 s6, s5  }
0xa: {  	s18 =	ssub.s32 s7, s8;
	s9 =	sadd.s32 s0, s9;
	s1 =	sadd.s32 s1, s3  }
0xb: {  	s3 =	sadd.s32 $0xF42E00, s3;
	s19 =	sor.u32 $0x2580, s5;
	s6 =	smax.u32 s18, $0x1  }
0xc: {  	s20 =	sor.u32 $0x2300, s5;
	s23 =	sor.u32 $0x2080, s5;
	s10 =	sor.u32 $0x1B80, s5  }
0xd: {  	s25 =	sor.u32 $0x1900, s5;
	s26 =	sor.u32 $0x1180, s5;
	s5 =	sor.u32 $0xC80, s5  }
0xe: {  	s18 =	simm.s32 $0x4380;
	s1 =	sadd.s32 $0xA00, s1;
	[dreg:$0x4] =	wrdreg s6  }
0xf: {  	s21 =	sshrl.u32 s20, $0x3;
	s24 =	sshrl.u32 s10, $0x3;
	s0 =	sshrl.u32 s25, $0x3  }
0x10: {  	s28 =	sshrl.u32 s5, $0x3;
	s20 =	simm.s32 $0x4;
	s5 =	simm.s32 $0x4B00  }
0x11: {  	[dreg:$0x3] =	wrdreg s1;
	s1 =	sshrl.u32 s19, $0x3;
	s7 =	sadd.s32 s21, s4  }
.Ltmp0:
0x12: {  	s10 =	sadd.s32 s24, s4;
	s11 =	sadd.s32 s0, s4;
	(pc) =	sbr.rel .LBB2_1-.Ltmp0, $4  }
0x13: {  	s13 =	sadd.s32 s28, s4;
	s21 =	simm.s32 $0x4600;
	s0 =	simm.s32 $0x4100  }
0x14: {  	s19 =	simm.s32 $0x0;
	s6 =	sadd.s32 s1, s4;
	s1 =	sshrl.u32 s23, $0x3  }
0x15: {  	s8 =	sadd.s32 s1, s4;
	s1 =	sshrl.u32 s26, $0x3;
	s26 =	simm.s32 $0x2  }
0x16: {  	s12 =	sadd.s32 s1, s4;
	s1 =	simm.s32 $0x3E80;
	s4 =	simm.s32 $0x4880  }
.LBB2_4:
0x17: {  	s17 =	simm.s32 $0x5  }
0x18: {  	_ =	swait.ge [sflag:s17], $0x280  }
0x19: {  	[sflag:s17] =	ssyncset.done $0x0  }
0x1a: {  	[sflag:s17] =	ssyncadd.s32 $0xFFFFFD80  }
0x1b: {  	_ =	swait.ge [sflag:s17], $0x280  }
0x1c: {  	[sflag:s17] =	ssyncset.done $0x0  }
0x1d: {  	[sflag:s17] =	ssyncadd.s32 $0xFFFFFD80  }
0x1e: {  	_ =	swait.ge [sflag:s17], $0x280  }
0x1f: {  	[sflag:s17] =	ssyncset.done $0x0  }
0x20: {  	[sflag:s17] =	ssyncadd.s32 $0xFFFFFD80  }
0x21: {  	_ =	swait.ge [sflag:s17], $0x280  }
0x22: {  	[sflag:s17] =	ssyncset.done $0x0  }
0x23: {  	s24 =	simm.s32 $0x6;
	[sflag:s17] =	ssyncadd.s32 $0xFFFFFD80  }
0x24: {  	_ =	swait.ge [sflag:s24], $0x280  }
0x25: {  	[sflag:s24] =	ssyncset.done $0x0  }
0x26: {  	[sflag:s24] =	ssyncadd.s32 $0xFFFFFD80  }
0x27: {  	_ =	swait.ge [sflag:s24], $0x280  }
0x28: {  	[sflag:s24] =	ssyncset.done $0x0  }
0x29: {  	[sflag:s24] =	ssyncadd.s32 $0xFFFFFD80  }
0x2a: {  	_ =	swait.ge [sflag:s24], $0x280  }
0x2b: {  	[sflag:s24] =	ssyncset.done $0x0  }
0x2c: {  	[sflag:s24] =	ssyncadd.s32 $0xFFFFFD80  }
0x2d: {  	_ =	swait.ge [sflag:s24], $0x280  }
0x2e: {  	[sflag:s24] =	ssyncset.done $0x0  }
0x2f: {  	s25 =	simm.s32 $0x7;
	[sflag:s24] =	ssyncadd.s32 $0xFFFFFD80  }
0x30: {  	_ =	swait.ge [sflag:s25], $0x280  }
0x31: {  	[sflag:s25] =	ssyncset.done $0x0  }
0x32: {  	[sflag:s25] =	ssyncadd.s32 $0xFFFFFD80  }
0x33: {  	_ =	swait.ge [sflag:s25], $0x280  }
0x34: {  	[sflag:s25] =	ssyncset.done $0x0  }
0x35: {  	[sflag:s25] =	ssyncadd.s32 $0xFFFFFD80  }
0x36: {  	_ =	swait.ge [sflag:s25], $0x280  }
0x37: {  	[sflag:s25] =	ssyncset.done $0x0  }
0x38: {  	[sflag:s25] =	ssyncadd.s32 $0xFFFFFD80  }
0x39: {  	_ =	swait.ge [sflag:s25], $0x280  }
0x3a: {  	[sflag:s25] =	ssyncset.done $0x0  }
0x3b: {  	[sflag:s25] =	ssyncadd.s32 $0xFFFFFD80  }
0x3c: {  	_ =	swait.ge [sflag:s16], $0x280  }
0x3d: {  	[sflag:s16] =	ssyncset.done $0x0  }
0x3e: {  	[sflag:s16] =	ssyncadd.s32 $0xFFFFFD80  }
0x3f: {  	_ =	swait.ge [sflag:s16], $0x280  }
0x40: {  	[sflag:s16] =	ssyncset.done $0x0  }
0x41: {  	[sflag:s16] =	ssyncadd.s32 $0xFFFFFD80  }
0x42: {  	_ =	swait.ge [sflag:s16], $0x280  }
0x43: {  	[sflag:s16] =	ssyncset.done $0x0  }
0x44: {  	[sflag:s16] =	ssyncadd.s32 $0xFFFFFD80  }
0x45: {  	_ =	swait.ge [sflag:s16], $0x280  }
0x46: {  	s19 =	rddreg [dreg:$0x5]  }
0x47: {  	s28 =	rddreg [dreg:$0x4];
	s19 =	sadd.s32 $0x1, s19  }
0x48: {  	p0 =	sne.s32 s19, s28  }
.Ltmp1:
0x49: {  	_ = 	snop;
	(pc) =	sbr.rel @!p0 .LBB2_5-.Ltmp1, $3  }
0x4a: {  	_ =	sdelay $0x1  }
0x4b: {  	[sflag:s16] =	ssyncset.done $0x0  }
0x4c: {  	[sflag:s16] =	ssyncadd.s32 $0xFFFFFD80  }
.LBB2_1:
0x4d: {  	[dreg:$0x5] =	wrdreg s19  }
0x4e: {  	s17 =	rddreg [dreg:$0x3];
	s28 =	simm.s32 $0x9  }
0x4f: {  	[tilespmem:s2], [sflag:$0x9] =	stream.linear.gather [hbm4b:s17+s2], $0x2800, $0x38;
	[tilespmem:$0x5000] =	vst v63  }
0x50: {  	_ =	swait.ge [sflag:s28], $0x2800  }
0x51: {  	[sflag:s28] =	ssyncset.done $0x0  }
0x52: {  	s19 =	simm.s32 $0x2800;
	[sflag:s28] =	ssyncadd.s32 $0xFFFFD800  }
0x53: {  	[tilespmem:s19], [sflag:$0x1] =	stream.indirect.gather [hbm4b:s3+s15], $0x20, s2, s15, $0xb8;
	[tilespmem:$0x5000] =	vst v63  }
0x54: {  	s23 =	simm.s32 $0x3200  }
0x55: {  	[tilespmem:s23], [sflag:$0x2] =	stream.indirect.gather [hbm4b:s3+s15], $0x20, s15, s15, $0xb8;
	[tilespmem:$0x5000] =	vst v63  }
0x56: {  	s24 =	simm.s32 $0xA0;
	s25 =	simm.s32 $0x3C00  }
0x57: {  	[tilespmem:s25], [sflag:$0x3] =	stream.indirect.gather [hbm4b:s3+s15], $0x20, s24, s15, $0xb8;
	[tilespmem:$0x5000] =	vst v63  }
0x58: {  	s28 =	simm.s32 $0xF0;
	s23 =	simm.s32 $0x0  }
0x59: {  	[tilespmem:s21], [sflag:$0x4] =	stream.indirect.gather [hbm4b:s3+s15], $0x20, s28, s15, $0xb8;
	[tilespmem:$0x5000] =	vst v63  }
.LBB2_2:
0x5a: {  	_ =	swait.ge [sflag:s22], $0xA00  }
0x5b: {  	[sflag:s22] =	ssyncset.done $0x0  }
0x5c: {  	s17 =	sadd.s32 s23, s9;
	s19 =	simm.s32 $0x2800;
	[sflag:s22] =	ssyncadd.s32 $0xFFFFF600  }
0x5d: {  	[hbm4b:s17+s2] =	stream.linear.scatter [tilespmem:s19], [sflag:$0x5], $0x280, $0x38;
	[tilespmem:$0x5000] =	vst v63  }
0x5e: {  	s28 =	simm.s32 $0x2A80;
	s24 =	sadd.s32 $0x50, s17  }
0x5f: {  	[hbm4b:s24+s2] =	stream.linear.scatter [tilespmem:s28], [sflag:$0x5], $0x280, $0x38;
	[tilespmem:$0x5000] =	vst v63  }
0x60: {  	p0 =	seq.s32 s23, $0x9B00;
	s25 =	sadd.s32 $0xA0, s17;
	s28 =	simm.s32 $0x2D00  }
0x61: {  	[hbm4b:s25+s2] =	stream.linear.scatter [tilespmem:s28], [sflag:$0x5], $0x280, $0x38;
	[tilespmem:$0x5000] =	vst v63  }
0x62: {  	s19 =	sadd.s32 $0xF0, s17;
	s24 =	simm.s32 @!p0 $0x5;
	s25 =	simm.s32 $0x2F80  }
0x63: {  	[hbm4b:s19+s2] =	stream.linear.scatter [tilespmem:s25], [sflag:$0x5], $0x280, $0x38;
	[tilespmem:$0x5000] =	vst v63  }
0x64: {  	_ =	swait.ge @!p0 [sflag:s24], $0x280  }
0x65: {  	[sflag:s24] =	ssyncset.done @!p0 $0x0  }
0x66: {  	[sflag:s24] =	ssyncadd.s32 @!p0 $0xFFFFFD80  }
0x67: {  	_ =	swait.ge @!p0 [sflag:s24], $0x280  }
0x68: {  	[sflag:s24] =	ssyncset.done @!p0 $0x0  }
0x69: {  	[sflag:s24] =	ssyncadd.s32 @!p0 $0xFFFFFD80  }
0x6a: {  	_ =	swait.ge @!p0 [sflag:s24], $0x280  }
0x6b: {  	[sflag:s24] =	ssyncset.done @!p0 $0x0  }
0x6c: {  	[sflag:s24] =	ssyncadd.s32 @!p0 $0xFFFFFD80  }
0x6d: {  	_ =	swait.ge @!p0 [sflag:s24], $0x280  }
0x6e: {  	[sflag:s24] =	ssyncset.done @!p0 $0x0  }
0x6f: {  	[sflag:s24] =	ssyncadd.s32 @!p0 $0xFFFFFD80;
	s24 =	sshra.s32 @!p0 s23, $0x2  }
0x70: {  	s28 =	simm.s32 @!p0 $0x2800;
	s19 =	simm.s32 @!p0 $0x50;
	s25 =	sadd.s32 @!p0 $0x140, s24  }
0x71: {  	[tilespmem:s28], [sflag:$0x1] =	stream.indirect.gather @!p0 [hbm4b:s3+s19], $0x20, s25, s19, $0xb8;
	[tilespmem:$0x5000] =	vst v63  }
0x72: {  	_ =	swait.ge [sflag:s26], $0xA00  }
0x73: {  	[sflag:s26] =	ssyncset.done $0x0  }
0x74: {  	s25 =	sadd.s32 $0x140, s17;
	s28 =	simm.s32 $0x3200;
	[sflag:s26] =	ssyncadd.s32 $0xFFFFF600  }
0x75: {  	[hbm4b:s25+s2] =	stream.linear.scatter [tilespmem:s28], [sflag:$0x6], $0x280, $0x38;
	[tilespmem:$0x5000] =	vst v63  }
0x76: {  	s25 =	sadd.s32 s23, s13;
	s28 =	simm.s32 $0x3480  }
0x77: {  	[hbm4b:s25+s2] =	stream.linear.scatter [tilespmem:s28], [sflag:$0x6], $0x280, $0x38;
	[tilespmem:$0x5000] =	vst v63  }
0x78: {  	s28 =	sadd.s32 $0x1E0, s17  }
0x79: {  	[hbm4b:s28+s2] =	stream.linear.scatter [tilespmem:s29], [sflag:$0x6], $0x280, $0x38;
	[tilespmem:$0x5000] =	vst v63  }
0x7a: {  	s25 =	simm.s32 @!p0 $0x6;
	s28 =	sadd.s32 s23, s12  }
0x7b: {  	[hbm4b:s28+s2] =	stream.linear.scatter [tilespmem:s30], [sflag:$0x6], $0x280, $0x38;
	[tilespmem:$0x5000] =	vst v63  }
0x7c: {  	_ =	swait.ge @!p0 [sflag:s25], $0x280  }
0x7d: {  	[sflag:s25] =	ssyncset.done @!p0 $0x0  }
0x7e: {  	[sflag:s25] =	ssyncadd.s32 @!p0 $0xFFFFFD80  }
0x7f: {  	_ =	swait.ge @!p0 [sflag:s25], $0x280  }
0x80: {  	[sflag:s25] =	ssyncset.done @!p0 $0x0  }
0x81: {  	[sflag:s25] =	ssyncadd.s32 @!p0 $0xFFFFFD80  }
0x82: {  	_ =	swait.ge @!p0 [sflag:s25], $0x280  }
0x83: {  	[sflag:s25] =	ssyncset.done @!p0 $0x0  }
0x84: {  	[sflag:s25] =	ssyncadd.s32 @!p0 $0xFFFFFD80  }
0x85: {  	_ =	swait.ge @!p0 [sflag:s25], $0x280  }
0x86: {  	[sflag:s25] =	ssyncset.done @!p0 $0x0  }
0x87: {  	s28 =	simm.s32 @!p0 $0x3200;
	[sflag:s25] =	ssyncadd.s32 @!p0 $0xFFFFFD80;
	s25 =	sadd.s32 @!p0 $0x190, s24  }
0x88: {  	[tilespmem:s28], [sflag:$0x2] =	stream.indirect.gather @!p0 [hbm4b:s3+s19], $0x20, s25, s19, $0xb8;
	[tilespmem:$0x5000] =	vst v63  }
0x89: {  	_ =	swait.ge [sflag:s31], $0xA00  }
0x8a: {  	[sflag:s31] =	ssyncset.done $0x0  }
0x8b: {  	s25 =	sadd.s32 $0x280, s17;
	s28 =	simm.s32 $0x3C00;
	[sflag:s31] =	ssyncadd.s32 $0xFFFFF600  }
0x8c: {  	[hbm4b:s25+s2] =	stream.linear.scatter [tilespmem:s28], [sflag:$0x7], $0x280, $0x38;
	[tilespmem:$0x5000] =	vst v63  }
0x8d: {  	s28 =	sadd.s32 $0x2D0, s17  }
0x8e: {  	[hbm4b:s28+s2] =	stream.linear.scatter [tilespmem:s1], [sflag:$0x7], $0x280, $0x38;
	[tilespmem:$0x5000] =	vst v63  }
0x8f: {  	s28 =	sadd.s32 s23, s11  }
0x90: {  	[hbm4b:s28+s2] =	stream.linear.scatter [tilespmem:s0], [sflag:$0x7], $0x280, $0x38;
	[tilespmem:$0x5000] =	vst v63  }
0x91: {  	s25 =	simm.s32 @!p0 $0x7;
	s28 =	sadd.s32 s23, s10  }
0x92: {  	[hbm4b:s28+s2] =	stream.linear.scatter [tilespmem:s18], [sflag:$0x7], $0x280, $0x38;
	[tilespmem:$0x5000] =	vst v63  }
0x93: {  	_ =	swait.ge @!p0 [sflag:s25], $0x280  }
0x94: {  	[sflag:s25] =	ssyncset.done @!p0 $0x0  }
0x95: {  	[sflag:s25] =	ssyncadd.s32 @!p0 $0xFFFFFD80  }
0x96: {  	_ =	swait.ge @!p0 [sflag:s25], $0x280  }
0x97: {  	[sflag:s25] =	ssyncset.done @!p0 $0x0  }
0x98: {  	[sflag:s25] =	ssyncadd.s32 @!p0 $0xFFFFFD80  }
0x99: {  	_ =	swait.ge @!p0 [sflag:s25], $0x280  }
0x9a: {  	[sflag:s25] =	ssyncset.done @!p0 $0x0  }
0x9b: {  	[sflag:s25] =	ssyncadd.s32 @!p0 $0xFFFFFD80  }
0x9c: {  	_ =	swait.ge @!p0 [sflag:s25], $0x280  }
0x9d: {  	[sflag:s25] =	ssyncset.done @!p0 $0x0  }
0x9e: {  	s24 =	sadd.s32 @!p0 $0x1E0, s24;
	[sflag:s25] =	ssyncadd.s32 @!p0 $0xFFFFFD80;
	s25 =	simm.s32 @!p0 $0x3C00  }
0x9f: {  	[tilespmem:s25], [sflag:$0x3] =	stream.indirect.gather @!p0 [hbm4b:s3+s19], $0x20, s24, s19, $0xb8;
	[tilespmem:$0x5000] =	vst v63  }
0xa0: {  	_ =	swait.ge [sflag:s20], $0xA00  }
0xa1: {  	[sflag:s20] =	ssyncset.done $0x0  }
0xa2: {  	s17 =	sadd.s32 $0x3C0, s17;
	[sflag:s20] =	ssyncadd.s32 $0xFFFFF600  }
0xa3: {  	[hbm4b:s17+s2] =	stream.linear.scatter [tilespmem:s21], [sflag:$0x8], $0x280, $0x38;
	[tilespmem:$0x5000] =	vst v63  }
0xa4: {  	s24 =	sadd.s32 s23, s8  }
0xa5: {  	[hbm4b:s24+s2] =	stream.linear.scatter [tilespmem:s4], [sflag:$0x8], $0x280, $0x38;
	[tilespmem:$0x5000] =	vst v63  }
.Ltmp2:
0xa6: {  	_ = 	snop;
	(pc) =	sbr.rel @p0 .LBB2_4-.Ltmp2, $4  }
0xa7: {  	s25 =	sadd.s32 s23, s7  }
0xa8: {  	[hbm4b:s25+s2] =	stream.linear.scatter [tilespmem:s5], [sflag:$0x8], $0x280, $0x38;
	[tilespmem:$0x5000] =	vst v63  }
0xa9: {  	s28 =	sadd.s32 s23, s6  }
0xaa: {  	[hbm4b:s28+s2] =	stream.linear.scatter [tilespmem:s14], [sflag:$0x8], $0x280, $0x38;
	[tilespmem:$0x5000] =	vst v63  }
0xab: {  	_ =	swait.ge [sflag:s16], $0x280  }
0xac: {  	[sflag:s16] =	ssyncset.done $0x0  }
0xad: {  	[sflag:s16] =	ssyncadd.s32 $0xFFFFFD80  }
0xae: {  	_ =	swait.ge [sflag:s16], $0x280  }
0xaf: {  	[sflag:s16] =	ssyncset.done $0x0  }
0xb0: {  	[sflag:s16] =	ssyncadd.s32 $0xFFFFFD80  }
0xb1: {  	_ =	swait.ge [sflag:s16], $0x280  }
0xb2: {  	[sflag:s16] =	ssyncset.done $0x0  }
.Ltmp3:
0xb3: {  	[sflag:s16] =	ssyncadd.s32 $0xFFFFFD80;
	(pc) =	sbr.rel .LBB2_2-.Ltmp3, $4  }
0xb4: {  	_ =	swait.ge [sflag:s16], $0x280  }
0xb5: {  	s17 =	sshra.s32 s23, $0x2;
	[sflag:s16] =	ssyncset.done $0x0  }
0xb6: {  	s23 =	sadd.s32 $0x500, s23;
	s17 =	sadd.s32 $0x230, s17;
	[sflag:s16] =	ssyncadd.s32 $0xFFFFFD80  }
0xb7: {  	[tilespmem:s21], [sflag:$0x4] =	stream.indirect.gather [hbm4b:s3+s15], $0x20, s17, s15, $0xb8;
	[tilespmem:$0x5000] =	vst v63  }
.LBB2_5:
0xb8: {  	_ =	sfence.sel $0x180000  }
0xb9: {  	[bflag:$0x0] =	sbarrier.arrive $0xFFFF  }
0xba: {  	_ =	strace $0x90000047  }
0xbb: {  	s0 =	stileid.u32;
	[bflag:$0x2] =	sbarrier.arrive $0xFFFF  }
0xbc: {  	p0 =	sne.s32 s0, $0x0;
	s0 =	rddreg [dreg:$0x2]  }
0xbd: {  	s0 =	sadd.s32 @!p0 $0x100000, s0  }
0xbe: {  	[sflag:s0] =	ssyncadd.tile.s32 @!p0 $0x1;
	_ =	shalt  }
.Lfunc_end2:
_tile_overlayer_lowered:
.L_overlay_start_2:
0xbf: {  	(tag) =	ssettag $0x2  }
0xc0: {  	s0 =	rddreg [dreg:$0x0];
	s2 =	stileid.u32  }
0xc1: {  	s1 =	rddreg [dreg:$0x1];
	p0 =	sne.s32 s2, $0x0  }
0xc2: {  	s3 =	rddreg [dreg:$0x2];
	[bflag:$0x3] =	sbarrier.arrive $0xFFFF;
	s2 =	simm.s32 @!p0 $0x1C09  }
0xc3: {  	[timem:s3], [sflag:s2] =	dma.local @!p0 [hbm:s0], s1  }
0xc4: {  	s0 =	simm.s32 @!p0 $0x9  }
0xc5: {  	_ =	swait.ge @!p0 [sflag:s0], s1  }
0xc6: {  	s1 =	ssub.s32 @!p0 $0x0, s1;
	[sflag:s0] =	ssyncset.done @!p0 $0x0  }
0xc7: {  	[sflag:s0] =	ssyncadd.s32 @!p0 s1  }
0xc8: {  	[bflag:$0x3] =	sbarrier.arrive $0xFFFF  }
0xc9: {  	_ =	shalt  }

// kernel: sparse-core-data-format-call.cloned.1.call-start
scs
called_computation_lowered:
.L_overlay_start_0:
0x0: {  	s2 =	sld [smem:$0x3FD9]  }
0x1: {  	s3 =	sld [smem:$0x3FFE];
	_ =	sdelay $0x1  }
0x2: {  	s1 =	srdreg.scid  }
0x3: {  	s0 =	sand.u32 $0x1, s1  }
0x4: {  	s18 =	sshll.u32 s0, $0xA;
	s2 =	sadd.s32 s3, s2  }
0x5: {  	s2 =	sadd.s32 s2, s18  }
0x6: {  	[smem:$0x3FC6] =	sst s2  }
0x7: {  	_ = 	snop  }
0x8: {  	s2 =	sld [smem:$0x3FD0];
	(tm) =	ssettm $0x1  }
0x9: {  	s19 =	sld [smem:$0x3FFB];
	_ =	sdelay $0x3  }
0xa: {  	_ =	strace s19  }
0xb: {  	s3 =	sld [smem:$0x3FFC];
	_ =	sdelay $0x3  }
0xc: {  	_ =	strace s3  }
0xd: {  	s3 =	sld [smem:$0x3FFD];
	_ =	sdelay $0x3  }
0xe: {  	_ =	strace s3  }
0xf: {  	_ =	strace $0x8FFFFFFF  }
0x10: {  	s20 =	sld [smem:$0x3FDB];
	_ =	sdelay $0x1  }
0x11: {  	s4 =	simm.s32 $_scs_section_size  }
0x12: {  	s5 =	simm.s32 $_size__tile_overlayer_lowered;
	s6 =	simm.s32 $_tile_overlayer_lowered  }
0x13: {  	s23 =	simm.s32 $0x1BFF;
	s22 =	sshll.u32 s6, $0x1;
	s3 =	sadd.s32 s4, s20  }
0x14: {  	s7 =	simm.s32 $0x0;
	s21 =	sshll.u32 s5, $0x1;
	s5 =	sadd.s32 s22, s3  }
0x15: {  	[timem:s7], [sflag:s23] =	dma.local [hbm:s5], s21  }
0x16: {  	_ =	swait.ge [sflag:s23], s21  }
0x17: {  	s4 =	ssub.s32 $0x0, s21;
	[sflag:s23] =	ssyncset.done $0x0  }
0x18: {  	[sflag:s23] =	ssyncadd.s32 s4;
	_ =	sdelay $0x1  }
0x19: {  	s24 =	simm.s32 $0x1B8B  }
0x1a: {  	_ =	swait.ge [sflag:s24], $0x1  }
0x1b: {  	[sflag:s24] =	ssyncset.done $0x0  }
0x1c: {  	s26 =	simm.s32 $0x1B8E;
	s25 =	sld [smem:$0x3FFE];
	[sflag:s24] =	ssyncadd.s32 $0xFFFFFFFF  }
0x1d: {  	s27 =	simm.s32 $execute0_lowered;
	[smem:$0x3FD2] =	sst s26  }
0x1e: {  	s5 =	sshll.u32 s27, $0x1;
	_ =	strace $0x80000049;
	[dreg:$0x1] =	wrdreg $0xFFFFFFFF  }
0x1f: {  	s28 =	simm.s32 $_size_execute0_lowered;
	s3 =	sadd.s32 s3, s5;
	[dreg:$0x0] =	wrdreg $0x0  }
0x20: {  	s5 =	sshll.u32 s28, $0x1;
	[dreg:$0x2] =	wrdreg s3  }
0x21: {  	[dreg:$0x3] =	wrdreg s5  }
0x22: {  	[dreg:$0x4] =	wrdreg $0xC0  }
0x23: {  	_ =	task [dreg:s7], $0x5FFFF  }
0x24: {  	[dreg:$0x1] =	wrdreg $0xFFFFFFFF  }
0x25: {  	[dreg:$0x0] =	wrdreg $0x60  }
0x26: {  	[dreg:$0x2] =	wrdreg s25  }
0x27: {  	[dreg:$0x3] =	wrdreg s2  }
0x28: {  	[dreg:$0x4] =	wrdreg $0x9  }
0x29: {  	_ =	task.clear_ibuf [dreg:s7], $0x5FFFF;
	_ =	strace $0x90000049  }
0x2a: {  	s29 =	simm.s32 $0x9;
	_ =	strace $0x8000004B  }
0x2b: {  	_ =	swait.ge [sflag:s29], $0x1  }
0x2c: {  	[sflag:s29] =	ssyncadd.s32 $0xFFFFFFFF  }
0x2d: {  	_ =	strace $0x9000004B  }
0x2e: {  	_ =	sfence  }
0x2f: {  	s30 =	sld [smem:$0x0];
	_ =	sdelay $0x2  }
0x30: {  	s31 =	sshll.u32 s1, $0xD;
	s1 =	sshrl.u32 s1, $0x2  }
0x31: {  	s3 =	sand.u32 $0x4000, s31;
	s1 =	sadd.s32 s1, s30  }
0x32: {  	s0 =	sor.u32 s3, s0;
	s1 =	sshll.u32 s1, $0x11  }
0x33: {  	s0 =	sor.u32 s1, s0  }
0x34: {  	s0 =	sadd.s32 $0x8F2B, s0  }
0x35: {  	[sflag:s0] =	ssyncadd.remote.s32 $0x1  }
0x36: {  	_ =	sfence.sel $0xFFFF  }
0x37: {  	[dreg:$0x0] =	wrdreg $0xFFFFFFFF;
	(pc) =	sbr.abs _section_cstart, $3  }
0x38: {  	[dreg:$0x1] =	wrdreg $0xFFFFFFFF  }
0x39: {  	_ =	task.clear_ibuf [dreg:s7], $0x2FFFF;
	_ =	strace $0x9FFFFFFF  }
0x3a: {  	(tm) =	ssettm $0x7FFFFFFF  }
0x3b: {  	_ =	shalt  }
tec
execute0_lowered:
.L_overlay_start_1:
0x0: {  	(tag) =	ssettag $0x1  }
0x1: {  	s0 =	srdreg.scid  }
0x2: {  	s1 =	sshll.u32 s0, $0x4  }
0x3: {  	s0 =	stileid.u32;
	s1 =	sand.u32 $0x10, s1  }
0x4: {  	s1 =	sor.u32 s0, s1  }
0x5: {  	s6 =	rddreg [dreg:$0x0];
	s4 =	simm.s32 $0x1;
	s2 =	sshll.u32 s1, $0x7  }
0x6: {  	s7 =	simm.s32 $0x2;
	s12 =	simm.s32 $0x0;
	s1 =	ssub.s32 $0x4000, s2  }
0x7: {  	s8 =	simm.s32 $0x20000;
	s13 =	simm.s32 $0x0;
	s3 =	sand.u32 $0xF80, s1  }
0x8: {  	s9 =	simm.s32 $0x0;
	s5 =	sshrl.u32 s1, $0xC;
	p0 =	sne.s32 s3, $0x0  }
.Ltmp0:
0x9: {  	s1 =	rddreg [dreg:$0x2];
	s4 =	simm.s32 @!p0 $0x0;
	(pc) =	sbr.rel .LBB1_1-.Ltmp0, $4  }
0xa: {  	s11 =	simm.s32 $0x0;
	s3 =	rddreg [dreg:$0x1];
	s5 =	sadd.s32 s4, s5  }
0xb: {  	_ =	strace $0x8000004A;
	s4 =	simm.s32 $0x1;
	s5 =	smul.u32 $0x14, s5  }
0xc: {  	s6 =	sadd.s32 $0xA00, s6;
	s10 =	smov.u32 s2;
	[sflag:s4] =	ssyncpa.u1 $0x0  }
0xd: {  	p0 =	por $0x0, $0x0;
	[sflag:s7] =	ssyncpa.u1 $0x0;
	s7 =	sor.u32 $0x1, s5  }
.LBB1_4:
0xe: {  	s16 =	sshll.u32 s13, $0x3;
	s17 =	sand.u32 $0x78, s13  }
0xf: {  	s30 =	sand.u32 $0xF800, s13;
	s12 =	sshll.u32 s12, $0x10;
	s16 =	sand.u32 $0x3C00, s16  }
0x10: {  	s31 =	sand.u32 $0x7, s13;
	s16 =	sor.u32 s17, s16;
	s17 =	sadd.s32 s3, s30  }
0x11: {  	s13 =	sshll.u32 s31, $0x12;
	s16 =	sshrl.u32 s16, $0x3;
	s12 =	sadd.s32 s12, s17  }
0x12: {  	[tilespmem:s15+$0x0 ss:$0x81] =	vst.msk $0xffff, v0;
	s13 =	sor.u32 $0x400, s13;
	s12 =	sadd.s32 s16, s12  }
0x13: {  	[hbm4b:s12+s13] =	stream.strided.scatter [tilespmem:s14], [sflag:$0x2], $0x1000, s8, s13, $0x20;
	[tilespmem:$0x4040] =	vst v63  }
.LBB1_5:
0x14: {  	s14 =	sadd.s32 $0x1, s9  }
0x15: {  	s12 =	sadd.s32 $0x1000, s10;
	s16 =	smov.u32 s10;
	p2 =	sgt.s32 s14, $0x13  }
0x16: {  	s16 =	smov.u32 @p2 s12  }
0x17: {  	s14 =	simm.s32 @p2 $0x0;
	p2 =	sgt.s32 s16, $0x3FFF  }
0x18: {  	s16 =	smov.u32 @p2 s2;
	p2 =	sne.s32 s11, s7  }
.Ltmp1:
0x19: {  	p1 =	slt.u32 s11, $0x2;
	(pc) =	sbr.rel @!p2 .LBB1_6-.Ltmp1, $4  }
0x1a: {  	s15 =	simm.s32 @!p1 $0x2  }
0x1b: {  	s13 =	smov.u32 s10;
	p0 =	por !p0, !p0;
	_ =	swait.ge @!p1 [sflag:s15], $0x1000  }
0x1c: {  	s12 =	smov.u32 s9;
	[sflag:s15] =	ssyncset.done @!p1 $0x0;
	s9 =	smov.u32 s14  }
0x1d: {  	s11 =	sadd.s32 $0x1, s11;
	[sflag:s15] =	ssyncadd.s32 @!p1 $0xFFFFF000;
	s10 =	smov.u32 s16  }
.LBB1_1:
0x1e: {  	p1 =	sge.u32 s11, s5  }
0x1f: {  	s14 =	sand.u32 @!p1 $0x1FFFFFF, s9  }
0x20: {  	s15 =	smulhi.u32 @!p1 $0xAAAAAAB, s14;
	_ =	sdelay $0x1  }
0x21: {  	s15 =	smul.u32 @!p1 $0x18, s15  }
0x22: {  	s16 =	sxor.u32 @!p1 $0xFFFFFFFF, s11;
	s17 =	smul.u32 @!p1 $0x180, s10  }
0x23: {  	s31 =	sadd.s32 $0xFFFFFFFF, s11;
	s16 =	sshll.u32 @!p1 s16, $0xC;
	s14 =	ssub.s32 @!p1 s14, s15  }
0x24: {  	s15 =	sand.u32 @!p1 $0x1000, s16;
	s16 =	sadd.s32 @!p1 s6, s17;
	s14 =	sshll.u32 @!p1 s14, $0x4  }
0x25: {  	s17 =	simm.s32 @!p1 $0xC00;
	s14 =	sadd.s32 @!p1 s14, s16;
	s16 =	simm.s32 @!p1 $0x20  }
0x26: {  	[tilespmem:s15], [sflag:$0x1] =	stream.strided.gather @!p1 [hbm4b:s14+s16], $0x1000, s17, s16, $0x38;
	[tilespmem:$0x4040] =	vst v63  }
0x27: {  	p1 =	sge.u32 s31, s5  }
.Ltmp2:
0x28: {  	_ = 	snop;
	(pc) =	sbr.rel @p1 .LBB1_5-.Ltmp2, $1  }
0x29: {  	_ =	sdelay $0x3  }
0x2a: {  	s14 =	simm.s32 $0x1  }
0x2b: {  	_ =	swait.ge [sflag:s4], $0x1000;
	s14 =	simm.s32 @!p0 $0x0  }
0x2c: {  	[sflag:s4] =	ssyncset.done $0x0;
	s15 =	sshll.u32 s14, $0xC  }
0x2d: {  	[sflag:s4] =	ssyncadd.s32 $0xFFFFF000;
	s18 =	sor.u32 $0x10, s15  }
0x2e: {  	s14 =	smul.u32 $0x4080, s14;
	v1 =	vld [tilespmem:s18+$0x0]  }
0x2f: {  	s30 =	sand.u32 $0x1, s11;
	v0 =	vld [tilespmem:s18+$0xFFFFFFF0]  }
0x30: {  	s15 =	smul.u32 $0x4080, s30;
	s14 =	sshrl.u32 s14, $0x2  }
0x31: {  	s16 =	sor.u32 $0x2000, s14  }
0x32: {  	s31 =	sshrl.u32 s15, $0x2;
	s15 =	sadd.s32 $0x0, s16  }
0x33: {  	s17 =	simm.s32 $0x4;
	s18 =	sadd.s32 $0x20, s18;
	s14 =	sor.u32 $0x2000, s31;
	[tilespmem:s15+$0x810 ss:$0x81] =	vst.msk $0xffff, v1  }
.LBB1_3:
0x34: {  	v1 =	vld [tilespmem:s18+$0x0];
	p1 =	sne.s32 s17, $0x1FC;
	[tilespmem:s15+$0x0 ss:$0x81] =	vst.msk $0xffff, v0;
	s15 =	smov.u32 s17;
	s17 =	sadd.s32 $0x4, s17  }
.Ltmp3:
0x35: {  	v0 =	vld [tilespmem:s18+$0xFFFFFFF0];
	(pc) =	sbr.rel @p1 .LBB1_3-.Ltmp3, $4  }
0x36: {  	_ = 	snop  }
0x37: {  	s15 =	sshra.s32 s15, $0x2  }
0x38: {  	s15 =	sadd.s32 s15, s16  }
0x39: {  	s18 =	sadd.s32 $0x20, s18;
	[tilespmem:s15+$0x810 ss:$0x81] =	vst.msk $0xffff, v1  }
.Ltmp4:
0x3a: {  	_ = 	snop;
	(pc) =	sbr.rel .LBB1_4-.Ltmp4, $1  }
0x3b: {  	_ =	sdelay $0x3  }
.LBB1_6:
0x3c: {  	_ =	sfence.sel $0x180000  }
0x3d: {  	s2 =	simm.s32 $0x1;
	[bflag:$0x0] =	sbarrier.arrive $0xFFFF  }
0x3e: {  	s31 =	simm.s32 $0x2;
	[sflag:s2] =	ssyncpa.u1 $0x1  }
0x3f: {  	[sflag:s31] =	ssyncpa.u1 $0x1  }
0x40: {  	p0 =	sne.s32 s0, $0x0;
	_ =	strace $0x9000004A  }
0x41: {  	s0 =	sadd.s32 @!p0 $0x100000, s1;
	[bflag:$0x2] =	sbarrier.arrive $0xFFFF  }
0x42: {  	[sflag:s0] =	ssyncadd.tile.s32 @!p0 $0x1;
	_ =	shalt  }
.Lfunc_end1:
_tile_overlayer_lowered:
.L_overlay_start_2:
0x43: {  	(tag) =	ssettag $0x2  }
0x44: {  	s0 =	rddreg [dreg:$0x0];
	s2 =	stileid.u32  }
0x45: {  	s1 =	rddreg [dreg:$0x1];
	p0 =	sne.s32 s2, $0x0  }
0x46: {  	s3 =	rddreg [dreg:$0x2];
	[bflag:$0x3] =	sbarrier.arrive $0xFFFF;
	s2 =	simm.s32 @!p0 $0x1C01  }
0x47: {  	[timem:s3], [sflag:s2] =	dma.local @!p0 [hbm:s0], s1  }
0x48: {  	s0 =	simm.s32 @!p0 $0x1  }
0x49: {  	_ =	swait.ge @!p0 [sflag:s0], s1  }
0x4a: {  	s1 =	ssub.s32 @!p0 $0x0, s1;
	[sflag:s0] =	ssyncset.done @!p0 $0x0  }
0x4b: {  	[sflag:s0] =	ssyncadd.s32 @!p0 s1  }
0x4c: {  	[bflag:$0x3] =	sbarrier.arrive $0xFFFF  }
0x4d: {  	_ =	shalt  }

</sc_bundles>
